<compile_context>
chip_gen: v7x
topology: tpu7x:2x2x1
jax: 0.10.2.dev20260603
libtpu: 0.0.44.dev20260713+nightly
codegen_flags: <defaults>
</compile_context>

<pallas_src>
import functools
import math

import jax
import jax.numpy as jnp
from jax import lax
from jax.experimental import pallas as pl
from jax.experimental.pallas import tpu as pltpu
from jax.experimental.pallas import tpu_sc as plsc

_NBUF = 4


def _make_gather_scale(V, D, B, scale):
    info = plsc.get_sparse_core_info()
    NC, NS, L = info.num_cores, info.num_subcores, info.num_lanes
    NW = NC * NS
    assert B % NW == 0 and D % L == 0
    BPW = B // NW
    K = 8
    assert BPW % (_NBUF * K) == 0
    NCH = BPW // K
    NG = NCH // _NBUF

    mesh = plsc.VectorSubcoreMesh(core_axis_name="c", subcore_axis_name="s")

    @functools.partial(
        pl.kernel,
        mesh=mesh,
        out_type=jax.ShapeDtypeStruct((B, D), jnp.float32),
        scratch_types=[
            pltpu.VMEM((BPW,), jnp.int32),
            *[pltpu.VMEM((K, D), jnp.float32) for _ in range(_NBUF)],
            *[pltpu.SemaphoreType.DMA for _ in range(2 * _NBUF)],
        ],
    )
    def k(table_hbm, idx_hbm, out_hbm, idx_v, *bufs_and_sems):
        bufs = bufs_and_sems[:_NBUF]
        sg = bufs_and_sems[_NBUF:2 * _NBUF]
        ss = bufs_and_sems[2 * _NBUF:]
        wid = lax.axis_index("s") * NC + lax.axis_index("c")
        base = wid * BPW
        pltpu.sync_copy(idx_hbm.at[pl.ds(base, BPW)], idx_v)

        def start_g(c, j):
            pltpu.async_copy(
                table_hbm.at[idx_v.at[pl.ds(c * K, K)]], bufs[j], sg[j]
            )

        def wait_g(j):
            pltpu.make_async_copy(table_hbm.at[pl.ds(0, K)], bufs[j], sg[j]).wait()

        def start_s(c, j):
            pltpu.async_copy(bufs[j], out_hbm.at[pl.ds(base + c * K, K)], ss[j])

        def wait_s(j):
            pltpu.make_async_copy(bufs[j], out_hbm.at[pl.ds(base, K)], ss[j]).wait()

        DL = D // L

        def scale_buf(buf):
            @plsc.parallel_loop(0, K * DL, unroll=8)
            def _(i):
                r = i >> DL.bit_length() - 1
                col = (i & (DL - 1)) * L
                buf[r, pl.ds(col, L)] = buf[r, pl.ds(col, L)] * scale

        for j in range(_NBUF - 1):
            start_g(j, j)

        def group(g, carry):
            for j in range(_NBUF):
                c = g * _NBUF + j
                tgt = (j + _NBUF - 1) % _NBUF
                wait_g(j)
                if j == 0:
                    @pl.when(g > 0)
                    def _():
                        wait_s(tgt)
                else:
                    wait_s(tgt)

                @pl.when(c + _NBUF - 1 < NCH)
                def _():
                    start_g(c + _NBUF - 1, tgt)
                scale_buf(bufs[j])
                start_s(c, j)
            return carry

        lax.fori_loop(0, NG, group, 0)
        wait_s(_NBUF - 1)

    return k


def kernel(sequence, table):
    Bt, S = sequence.shape
    V, D = table.shape
    B = Bt * S
    idx = sequence.reshape(B).astype(jnp.int32)
    scale = jnp.float32(math.sqrt(D))
    out = _make_gather_scale(V, D, B, scale)(table, idx)
    return out.reshape(Bt, S, D)

# --- scband reference (transcript-rebuilt; emitter-appended) ---
"""Pipeline reference for scband-embedding-transformer-31516470018739 (READ-ONLY COPY).

The authoritative reference and input builder live on the scoring server;
editing this copy changes nothing except your own understanding.
"""

import jax, jax.numpy as jnp
import numpy as np
import math

VOCAB_SIZE = 100000
D_MODEL = 2048
BATCH = 4
SEQ_LEN = 4096

def setup_inputs(seed: int = 0) -> dict:
    key = jax.random.key(seed)
    k_seq, k_tab = jax.random.split(key)
    sequence = jax.random.randint(k_seq, (BATCH, SEQ_LEN), 0, VOCAB_SIZE, dtype=jnp.int64 if jax.config.jax_enable_x64 else jnp.int32)
    table = jax.random.normal(k_tab, (VOCAB_SIZE, D_MODEL), dtype=jnp.float32)
    return {"sequence": sequence, "table": table}

def reference(sequence, table):
    # Embedding lookup scaled by sqrt(d_model), as in the original forward
    out = jnp.take(table, sequence, axis=0) * math.sqrt(D_MODEL)
    return out

if __name__ == "__main__":
    import jax
    _d = setup_inputs()
    print(jax.jit(kernel)(*tuple(_d.values())))

</pallas_src>

<mosaic_0001>
#map = affine_map<(d0, d1) -> (0, 0)>
#map1 = affine_map<(d0, d1) -> (0)>
module attributes {stable_mosaic.version = 14 : i64} {
  func.func @_rewritten_body(%arg0: i32, %arg1: i32, %arg2: memref<100000x2048xf32, #tpu.memory_space<hbm>>, %arg3: memref<16384xi32, #tpu.memory_space<hbm>>, %arg4: memref<1xf32, #tpu.memory_space<hbm>>, %arg5: memref<16384x2048xf32, #tpu.memory_space<hbm>>, %arg6: memref<512xi32, #tpu.memory_space<vmem>>, %arg7: memref<8x2048xf32, #tpu.memory_space<vmem>>, %arg8: memref<8x2048xf32, #tpu.memory_space<vmem>>, %arg9: memref<8x2048xf32, #tpu.memory_space<vmem>>, %arg10: memref<8x2048xf32, #tpu.memory_space<vmem>>, %arg11: memref<!tpu.dma_semaphore, #tpu.memory_space<semaphore_mem>>, %arg12: memref<!tpu.dma_semaphore, #tpu.memory_space<semaphore_mem>>, %arg13: memref<!tpu.dma_semaphore, #tpu.memory_space<semaphore_mem>>, %arg14: memref<!tpu.dma_semaphore, #tpu.memory_space<semaphore_mem>>, %arg15: memref<!tpu.dma_semaphore, #tpu.memory_space<semaphore_mem>>, %arg16: memref<!tpu.dma_semaphore, #tpu.memory_space<semaphore_mem>>, %arg17: memref<!tpu.dma_semaphore, #tpu.memory_space<semaphore_mem>>, %arg18: memref<!tpu.dma_semaphore, #tpu.memory_space<semaphore_mem>>) attributes {dimension_semantics = [#tpu.dimension_semantics<core_parallel>, #tpu.dimension_semantics<subcore_parallel>], iteration_bounds = array<i64: 2, 16>, scalar_prefetch = 0 : i64, scratch_operands = 13 : i64, tpu.core_type = #tpu.core_type<sc_vector_subcore>, window_params = [{transform_indices = #map}, {transform_indices = #map1}, {transform_indices = #map1}, {transform_indices = #map}]} {
    %empty_ref3A = memref.alloca() : memref<16xf32, #tpu.memory_space<vmem>>
    "tpu.region"() ({
      %run_scoped3A = tpu.sem_alloc : memref<!tpu.dma_semaphore, #tpu.memory_space<semaphore_mem>>
      %dma_start3A_27 = arith.constant 0 : i32
      %dma_start3A_28 = tpu.memref_slice %empty_ref3A[%dma_start3A_27] : memref<16xf32, #tpu.memory_space<vmem>> -> memref<1xf32, #tpu.memory_space<vmem>>
      %dma_start3A_29 = arith.constant 0 : i32
      %dma_start3A_30 = tpu.memref_slice %empty_ref3A[%dma_start3A_29] : memref<16xf32, #tpu.memory_space<vmem>> -> memref<1xf32, #tpu.memory_space<vmem>>
      tpu.enqueue_dma source(%arg4 : memref<1xf32, #tpu.memory_space<hbm>>) target(%dma_start3A_30 : memref<1xf32, #tpu.memory_space<vmem>>) target_semaphore(%run_scoped3A : memref<!tpu.dma_semaphore, #tpu.memory_space<semaphore_mem>>)
      %dma_wait3A_31 = arith.constant 0 : i32
      %dma_wait3A_32 = tpu.memref_slice %empty_ref3A[%dma_wait3A_31] : memref<16xf32, #tpu.memory_space<vmem>> -> memref<1xf32, #tpu.memory_space<vmem>>
      %dma_wait3A_33 = arith.constant 0 : i32
      %dma_wait3A_34 = tpu.memref_slice %empty_ref3A[%dma_wait3A_33] : memref<16xf32, #tpu.memory_space<vmem>> -> memref<1xf32, #tpu.memory_space<vmem>>
      tpu.wait_dma2 semaphore(%run_scoped3A : memref<!tpu.dma_semaphore, #tpu.memory_space<semaphore_mem>>) src(%arg4 : memref<1xf32, #tpu.memory_space<hbm>>) dst(%dma_wait3A_34 : memref<1xf32, #tpu.memory_space<vmem>>)
      tpu.yield
    }) : () -> ()
    %get3A = arith.constant 0 : index
    %get3A_0 = tpu.vector_load %empty_ref3A[%get3A] {strides = array<i32>} : memref<16xf32, #tpu.memory_space<vmem>>, vector<16xf32>,
    %get3A_1 = vector.shape_cast %get3A_0 : vector<16xf32> to vector<16xf32>
    %slice3A = vector.extract_strided_slice %get3A_1 {offsets = [0], sizes = [1], strides = [1]} : vector<16xf32> to vector<1xf32>
    %squeeze3A = vector.extract %slice3A[0] : f32 from vector<1xf32>
    %mul3A = arith.constant 2 : i32
    %mul3A_2 = arith.muli %arg1, %mul3A : i32
    %add3A = arith.addi %mul3A_2, %arg0 : i32
    %mul3A_3 = arith.constant 512 : i32
    %mul3A_4 = arith.muli %add3A, %mul3A_3 : i32
    "tpu.region"() ({
      %run_scoped3A = tpu.sem_alloc : memref<!tpu.dma_semaphore, #tpu.memory_space<semaphore_mem>>
      %dma_start3A_27 = tpu.memref_slice %arg3[%mul3A_4] : memref<16384xi32, #tpu.memory_space<hbm>> -> memref<512xi32, #tpu.memory_space<hbm>>
      %dma_start3A_28 = tpu.memref_slice %arg3[%mul3A_4] : memref<16384xi32, #tpu.memory_space<hbm>> -> memref<512xi32, #tpu.memory_space<hbm>>
      tpu.enqueue_dma source(%dma_start3A_28 : memref<512xi32, #tpu.memory_space<hbm>>) target(%arg6 : memref<512xi32, #tpu.memory_space<vmem>>) target_semaphore(%run_scoped3A : memref<!tpu.dma_semaphore, #tpu.memory_space<semaphore_mem>>)
      %dma_wait3A_29 = tpu.memref_slice %arg3[%mul3A_4] : memref<16384xi32, #tpu.memory_space<hbm>> -> memref<512xi32, #tpu.memory_space<hbm>>
      %dma_wait3A_30 = tpu.memref_slice %arg3[%mul3A_4] : memref<16384xi32, #tpu.memory_space<hbm>> -> memref<512xi32, #tpu.memory_space<hbm>>
      tpu.wait_dma2 semaphore(%run_scoped3A : memref<!tpu.dma_semaphore, #tpu.memory_space<semaphore_mem>>) src(%dma_wait3A_30 : memref<512xi32, #tpu.memory_space<hbm>>) dst(%arg6 : memref<512xi32, #tpu.memory_space<vmem>>)
      tpu.yield
    }) : () -> ()
    %dma_start3A = arith.constant 0 : i32
    %dma_start3A_5 = tpu.memref_slice %arg6[%dma_start3A] : memref<512xi32, #tpu.memory_space<vmem>> -> memref<8xi32, #tpu.memory_space<vmem>>
    %dma_start3A_6 = arith.constant 0 : i32
    %dma_start3A_7 = arith.constant 0 : i32
    %dma_start3A_8 = tpu.memref_slice %arg2[%dma_start3A_6, %dma_start3A_7] : memref<100000x2048xf32, #tpu.memory_space<hbm>> -> memref<100000x2048xf32, #tpu.memory_space<hbm>>
    tpu.enqueue_indirect_dma source(%dma_start3A_8 : memref<100000x2048xf32, #tpu.memory_space<hbm>>) target(%arg7 : memref<8x2048xf32, #tpu.memory_space<vmem>>) offsets(%dma_start3A_5 : memref<8xi32, #tpu.memory_space<vmem>>) semaphore(%arg11 : memref<!tpu.dma_semaphore, #tpu.memory_space<semaphore_mem>>)
    %dma_start3A_9 = arith.constant 8 : i32
    %dma_start3A_10 = tpu.memref_slice %arg6[%dma_start3A_9] : memref<512xi32, #tpu.memory_space<vmem>> -> memref<8xi32, #tpu.memory_space<vmem>>
    %dma_start3A_11 = arith.constant 0 : i32
    %dma_start3A_12 = arith.constant 0 : i32
    %dma_start3A_13 = tpu.memref_slice %arg2[%dma_start3A_11, %dma_start3A_12] : memref<100000x2048xf32, #tpu.memory_space<hbm>> -> memref<100000x2048xf32, #tpu.memory_space<hbm>>
    tpu.enqueue_indirect_dma source(%dma_start3A_13 : memref<100000x2048xf32, #tpu.memory_space<hbm>>) target(%arg8 : memref<8x2048xf32, #tpu.memory_space<vmem>>) offsets(%dma_start3A_10 : memref<8xi32, #tpu.memory_space<vmem>>) semaphore(%arg12 : memref<!tpu.dma_semaphore, #tpu.memory_space<semaphore_mem>>)
    %dma_start3A_14 = arith.constant 16 : i32
    %dma_start3A_15 = tpu.memref_slice %arg6[%dma_start3A_14] : memref<512xi32, #tpu.memory_space<vmem>> -> memref<8xi32, #tpu.memory_space<vmem>>
    %dma_start3A_16 = arith.constant 0 : i32
    %dma_start3A_17 = arith.constant 0 : i32
    %dma_start3A_18 = tpu.memref_slice %arg2[%dma_start3A_16, %dma_start3A_17] : memref<100000x2048xf32, #tpu.memory_space<hbm>> -> memref<100000x2048xf32, #tpu.memory_space<hbm>>
    tpu.enqueue_indirect_dma source(%dma_start3A_18 : memref<100000x2048xf32, #tpu.memory_space<hbm>>) target(%arg9 : memref<8x2048xf32, #tpu.memory_space<vmem>>) offsets(%dma_start3A_15 : memref<8xi32, #tpu.memory_space<vmem>>) semaphore(%arg13 : memref<!tpu.dma_semaphore, #tpu.memory_space<semaphore_mem>>)
    %scan3A = arith.constant 0 : i32
    %scan3A_19 = arith.constant 0 : i32
    %scan3A_20 = arith.constant 16 : i32
    %scan3A_21 = arith.addi %scan3A_19, %scan3A_20 : i32
    %scan3A_22 = arith.constant 1 : i32
    scf.for %scan3A_27 = %scan3A_19 to %scan3A_21 step %scan3A_22  : i32 {
      %mul3A_28 = arith.constant 4 : i32
      %mul3A_29 = arith.muli %scan3A_27, %mul3A_28 : i32
      %add3A_30 = arith.constant 0 : i32
      %add3A_31 = arith.addi %mul3A_29, %add3A_30 : i32
      %dma_wait3A_32 = arith.constant 0 : i32
      %dma_wait3A_33 = arith.constant 0 : i32
      %dma_wait3A_34 = tpu.memref_slice %arg2[%dma_wait3A_32, %dma_wait3A_33] : memref<100000x2048xf32, #tpu.memory_space<hbm>> -> memref<8x2048xf32, #tpu.memory_space<hbm>>
      %dma_wait3A_35 = arith.constant 0 : i32
      %dma_wait3A_36 = arith.constant 0 : i32
      %dma_wait3A_37 = tpu.memref_slice %arg2[%dma_wait3A_35, %dma_wait3A_36] : memref<100000x2048xf32, #tpu.memory_space<hbm>> -> memref<8x2048xf32, #tpu.memory_space<hbm>>
      tpu.wait_dma2 semaphore(%arg11 : memref<!tpu.dma_semaphore, #tpu.memory_space<semaphore_mem>>) src(%dma_wait3A_37 : memref<8x2048xf32, #tpu.memory_space<hbm>>) dst(%arg7 : memref<8x2048xf32, #tpu.memory_space<vmem>>)
      %gt3A = arith.constant 0 : i32
      %gt3A_38 = arith.cmpi sgt, %scan3A_27, %gt3A : i32
      %convert_element_type3A = arith.extui %gt3A_38 : i1 to i32
      %cond3A = arith.constant 0 : i32
      %cond3A_39 = arith.cmpi ne, %convert_element_type3A, %cond3A : i32
      scf.if %cond3A_39 {
        %dma_wait3A_155 = arith.constant 0 : i32
        %dma_wait3A_156 = tpu.memref_slice %arg5[%mul3A_4, %dma_wait3A_155] : memref<16384x2048xf32, #tpu.memory_space<hbm>> -> memref<8x2048xf32, #tpu.memory_space<hbm>>
        %dma_wait3A_157 = arith.constant 0 : i32
        %dma_wait3A_158 = tpu.memref_slice %arg5[%mul3A_4, %dma_wait3A_157] : memref<16384x2048xf32, #tpu.memory_space<hbm>> -> memref<8x2048xf32, #tpu.memory_space<hbm>>
        tpu.wait_dma2 semaphore(%arg18 : memref<!tpu.dma_semaphore, #tpu.memory_space<semaphore_mem>>) src(%arg10 : memref<8x2048xf32, #tpu.memory_space<vmem>>) dst(%dma_wait3A_158 : memref<8x2048xf32, #tpu.memory_space<hbm>>)
      } else {
      }
      %add3A_40 = arith.constant 4 : i32
      %add3A_41 = arith.addi %add3A_31, %add3A_40 : i32
      %sub3A = arith.constant 1 : i32
      %sub3A_42 = arith.subi %add3A_41, %sub3A : i32
      %lt3A = arith.constant 64 : i32
      %lt3A_43 = arith.cmpi slt, %sub3A_42, %lt3A : i32
      %convert_element_type3A_44 = arith.extui %lt3A_43 : i1 to i32
      %cond3A_45 = arith.constant 0 : i32
      %cond3A_46 = arith.cmpi ne, %convert_element_type3A_44, %cond3A_45 : i32
      scf.if %cond3A_46 {
        %add3A_155 = arith.constant 4 : i32
        %add3A_156 = arith.addi %add3A_31, %add3A_155 : i32
        %sub3A_157 = arith.constant 1 : i32
        %sub3A_158 = arith.subi %add3A_156, %sub3A_157 : i32
        %mul3A_159 = arith.constant 8 : i32
        %mul3A_160 = arith.muli %sub3A_158, %mul3A_159 : i32
        %dma_start3A_161 = tpu.memref_slice %arg6[%mul3A_160] : memref<512xi32, #tpu.memory_space<vmem>> -> memref<8xi32, #tpu.memory_space<vmem>>
        %dma_start3A_162 = arith.constant 0 : i32
        %dma_start3A_163 = arith.constant 0 : i32
        %dma_start3A_164 = tpu.memref_slice %arg2[%dma_start3A_162, %dma_start3A_163] : memref<100000x2048xf32, #tpu.memory_space<hbm>> -> memref<100000x2048xf32, #tpu.memory_space<hbm>>
        tpu.enqueue_indirect_dma source(%dma_start3A_164 : memref<100000x2048xf32, #tpu.memory_space<hbm>>) target(%arg10 : memref<8x2048xf32, #tpu.memory_space<vmem>>) offsets(%dma_start3A_161 : memref<8xi32, #tpu.memory_space<vmem>>) semaphore(%arg14 : memref<!tpu.dma_semaphore, #tpu.memory_space<semaphore_mem>>)
      } else {
      }
      %parallel_loop3A = arith.constant 0 : i32
      %parallel_loop3A_47 = arith.constant 1024 : i32
      %parallel_loop3A_48 = arith.constant 1 : i32
      scf.for %parallel_loop3A_155 = %parallel_loop3A to %parallel_loop3A_47 step %parallel_loop3A_48  : i32 {
        %parallel_loop3A_156 = arith.constant 7 : i32
        %parallel_loop3A_157 = arith.shrsi %parallel_loop3A_155, %parallel_loop3A_156 : i32
        %parallel_loop3A_158 = arith.constant 127 : i32
        %parallel_loop3A_159 = arith.andi %parallel_loop3A_155, %parallel_loop3A_158 : i32
        %parallel_loop3A_160 = arith.constant 16 : i32
        %parallel_loop3A_161 = arith.muli %parallel_loop3A_159, %parallel_loop3A_160 : i32
        %parallel_loop3A_162 = arith.index_cast %parallel_loop3A_157 : i32 to index
        %parallel_loop3A_163 = arith.index_cast %parallel_loop3A_161 : i32 to index
        %parallel_loop3A_164 = tpu.vector_load %arg7[%parallel_loop3A_162, %parallel_loop3A_163] {strides = array<i32>} : memref<8x2048xf32, #tpu.memory_space<vmem>>, vector<1x16xf32>,
        %parallel_loop3A_165 = vector.shape_cast %parallel_loop3A_164 : vector<1x16xf32> to vector<16xf32>
        %parallel_loop3A_166 = vector.broadcast %squeeze3A : f32 to vector<16xf32>
        %parallel_loop3A_167 = arith.mulf %parallel_loop3A_165, %parallel_loop3A_166 : vector<16xf32>
        %parallel_loop3A_168 = arith.index_cast %parallel_loop3A_157 : i32 to index
        %parallel_loop3A_169 = arith.index_cast %parallel_loop3A_161 : i32 to index
        %parallel_loop3A_170 = tpu.vector_load %arg7[%parallel_loop3A_168, %parallel_loop3A_169] {strides = array<i32>} : memref<8x2048xf32, #tpu.memory_space<vmem>>, vector<1x16xf32>,
        %parallel_loop3A_171 = vector.shape_cast %parallel_loop3A_170 : vector<1x16xf32> to vector<16xf32>
        %parallel_loop3A_172 = vector.shape_cast %parallel_loop3A_167 : vector<16xf32> to vector<1x16xf32>
        tpu.vector_store %arg7[%parallel_loop3A_168, %parallel_loop3A_169], %parallel_loop3A_172 {strides = array<i32>} : memref<8x2048xf32, #tpu.memory_space<vmem>>, vector<1x16xf32>,
      } {sc.loop_unroll_factor = 8 : i64, sc.parallel_access}
      %mul3A_49 = arith.constant 8 : i32
      %mul3A_50 = arith.muli %add3A_31, %mul3A_49 : i32
      %add3A_51 = arith.addi %mul3A_4, %mul3A_50 : i32
      %dma_start3A_52 = arith.constant 0 : i32
      %dma_start3A_53 = tpu.memref_slice %arg5[%add3A_51, %dma_start3A_52] : memref<16384x2048xf32, #tpu.memory_space<hbm>> -> memref<8x2048xf32, #tpu.memory_space<hbm>>
      %dma_start3A_54 = arith.constant 0 : i32
      %dma_start3A_55 = tpu.memref_slice %arg5[%add3A_51, %dma_start3A_54] : memref<16384x2048xf32, #tpu.memory_space<hbm>> -> memref<8x2048xf32, #tpu.memory_space<hbm>>
      tpu.enqueue_dma source(%arg7 : memref<8x2048xf32, #tpu.memory_space<vmem>>) target(%dma_start3A_55 : memref<8x2048xf32, #tpu.memory_space<hbm>>) target_semaphore(%arg15 : memref<!tpu.dma_semaphore, #tpu.memory_space<semaphore_mem>>)
      %mul3A_56 = arith.constant 4 : i32
      %mul3A_57 = arith.muli %scan3A_27, %mul3A_56 : i32
      %add3A_58 = arith.constant 1 : i32
      %add3A_59 = arith.addi %mul3A_57, %add3A_58 : i32
      %dma_wait3A_60 = arith.constant 0 : i32
      %dma_wait3A_61 = arith.constant 0 : i32
      %dma_wait3A_62 = tpu.memref_slice %arg2[%dma_wait3A_60, %dma_wait3A_61] : memref<100000x2048xf32, #tpu.memory_space<hbm>> -> memref<8x2048xf32, #tpu.memory_space<hbm>>
      %dma_wait3A_63 = arith.constant 0 : i32
      %dma_wait3A_64 = arith.constant 0 : i32
      %dma_wait3A_65 = tpu.memref_slice %arg2[%dma_wait3A_63, %dma_wait3A_64] : memref<100000x2048xf32, #tpu.memory_space<hbm>> -> memref<8x2048xf32, #tpu.memory_space<hbm>>
      tpu.wait_dma2 semaphore(%arg12 : memref<!tpu.dma_semaphore, #tpu.memory_space<semaphore_mem>>) src(%dma_wait3A_65 : memref<8x2048xf32, #tpu.memory_space<hbm>>) dst(%arg8 : memref<8x2048xf32, #tpu.memory_space<vmem>>)
      %dma_wait3A_66 = arith.constant 0 : i32
      %dma_wait3A_67 = tpu.memref_slice %arg5[%mul3A_4, %dma_wait3A_66] : memref<16384x2048xf32, #tpu.memory_space<hbm>> -> memref<8x2048xf32, #tpu.memory_space<hbm>>
      %dma_wait3A_68 = arith.constant 0 : i32
      %dma_wait3A_69 = tpu.memref_slice %arg5[%mul3A_4, %dma_wait3A_68] : memref<16384x2048xf32, #tpu.memory_space<hbm>> -> memref<8x2048xf32, #tpu.memory_space<hbm>>
      tpu.wait_dma2 semaphore(%arg15 : memref<!tpu.dma_semaphore, #tpu.memory_space<semaphore_mem>>) src(%arg7 : memref<8x2048xf32, #tpu.memory_space<vmem>>) dst(%dma_wait3A_69 : memref<8x2048xf32, #tpu.memory_space<hbm>>)
      %add3A_70 = arith.constant 4 : i32
      %add3A_71 = arith.addi %add3A_59, %add3A_70 : i32
      %sub3A_72 = arith.constant 1 : i32
      %sub3A_73 = arith.subi %add3A_71, %sub3A_72 : i32
      %lt3A_74 = arith.constant 64 : i32
      %lt3A_75 = arith.cmpi slt, %sub3A_73, %lt3A_74 : i32
      %convert_element_type3A_76 = arith.extui %lt3A_75 : i1 to i32
      %cond3A_77 = arith.constant 0 : i32
      %cond3A_78 = arith.cmpi ne, %convert_element_type3A_76, %cond3A_77 : i32
      scf.if %cond3A_78 {
        %add3A_155 = arith.constant 4 : i32
        %add3A_156 = arith.addi %add3A_59, %add3A_155 : i32
        %sub3A_157 = arith.constant 1 : i32
        %sub3A_158 = arith.subi %add3A_156, %sub3A_157 : i32
        %mul3A_159 = arith.constant 8 : i32
        %mul3A_160 = arith.muli %sub3A_158, %mul3A_159 : i32
        %dma_start3A_161 = tpu.memref_slice %arg6[%mul3A_160] : memref<512xi32, #tpu.memory_space<vmem>> -> memref<8xi32, #tpu.memory_space<vmem>>
        %dma_start3A_162 = arith.constant 0 : i32
        %dma_start3A_163 = arith.constant 0 : i32
        %dma_start3A_164 = tpu.memref_slice %arg2[%dma_start3A_162, %dma_start3A_163] : memref<100000x2048xf32, #tpu.memory_space<hbm>> -> memref<100000x2048xf32, #tpu.memory_space<hbm>>
        tpu.enqueue_indirect_dma source(%dma_start3A_164 : memref<100000x2048xf32, #tpu.memory_space<hbm>>) target(%arg7 : memref<8x2048xf32, #tpu.memory_space<vmem>>) offsets(%dma_start3A_161 : memref<8xi32, #tpu.memory_space<vmem>>) semaphore(%arg11 : memref<!tpu.dma_semaphore, #tpu.memory_space<semaphore_mem>>)
      } else {
      }
      %parallel_loop3A_79 = arith.constant 0 : i32
      %parallel_loop3A_80 = arith.constant 1024 : i32
      %parallel_loop3A_81 = arith.constant 1 : i32
      scf.for %parallel_loop3A_155 = %parallel_loop3A_79 to %parallel_loop3A_80 step %parallel_loop3A_81  : i32 {
        %parallel_loop3A_156 = arith.constant 7 : i32
        %parallel_loop3A_157 = arith.shrsi %parallel_loop3A_155, %parallel_loop3A_156 : i32
        %parallel_loop3A_158 = arith.constant 127 : i32
        %parallel_loop3A_159 = arith.andi %parallel_loop3A_155, %parallel_loop3A_158 : i32
        %parallel_loop3A_160 = arith.constant 16 : i32
        %parallel_loop3A_161 = arith.muli %parallel_loop3A_159, %parallel_loop3A_160 : i32
        %parallel_loop3A_162 = arith.index_cast %parallel_loop3A_157 : i32 to index
        %parallel_loop3A_163 = arith.index_cast %parallel_loop3A_161 : i32 to index
        %parallel_loop3A_164 = tpu.vector_load %arg8[%parallel_loop3A_162, %parallel_loop3A_163] {strides = array<i32>} : memref<8x2048xf32, #tpu.memory_space<vmem>>, vector<1x16xf32>,
        %parallel_loop3A_165 = vector.shape_cast %parallel_loop3A_164 : vector<1x16xf32> to vector<16xf32>
        %parallel_loop3A_166 = vector.broadcast %squeeze3A : f32 to vector<16xf32>
        %parallel_loop3A_167 = arith.mulf %parallel_loop3A_165, %parallel_loop3A_166 : vector<16xf32>
        %parallel_loop3A_168 = arith.index_cast %parallel_loop3A_157 : i32 to index
        %parallel_loop3A_169 = arith.index_cast %parallel_loop3A_161 : i32 to index
        %parallel_loop3A_170 = tpu.vector_load %arg8[%parallel_loop3A_168, %parallel_loop3A_169] {strides = array<i32>} : memref<8x2048xf32, #tpu.memory_space<vmem>>, vector<1x16xf32>,
        %parallel_loop3A_171 = vector.shape_cast %parallel_loop3A_170 : vector<1x16xf32> to vector<16xf32>
        %parallel_loop3A_172 = vector.shape_cast %parallel_loop3A_167 : vector<16xf32> to vector<1x16xf32>
        tpu.vector_store %arg8[%parallel_loop3A_168, %parallel_loop3A_169], %parallel_loop3A_172 {strides = array<i32>} : memref<8x2048xf32, #tpu.memory_space<vmem>>, vector<1x16xf32>,
      } {sc.loop_unroll_factor = 8 : i64, sc.parallel_access}
      %mul3A_82 = arith.constant 8 : i32
      %mul3A_83 = arith.muli %add3A_59, %mul3A_82 : i32
      %add3A_84 = arith.addi %mul3A_4, %mul3A_83 : i32
      %dma_start3A_85 = arith.constant 0 : i32
      %dma_start3A_86 = tpu.memref_slice %arg5[%add3A_84, %dma_start3A_85] : memref<16384x2048xf32, #tpu.memory_space<hbm>> -> memref<8x2048xf32, #tpu.memory_space<hbm>>
      %dma_start3A_87 = arith.constant 0 : i32
      %dma_start3A_88 = tpu.memref_slice %arg5[%add3A_84, %dma_start3A_87] : memref<16384x2048xf32, #tpu.memory_space<hbm>> -> memref<8x2048xf32, #tpu.memory_space<hbm>>
      tpu.enqueue_dma source(%arg8 : memref<8x2048xf32, #tpu.memory_space<vmem>>) target(%dma_start3A_88 : memref<8x2048xf32, #tpu.memory_space<hbm>>) target_semaphore(%arg16 : memref<!tpu.dma_semaphore, #tpu.memory_space<semaphore_mem>>)
      %mul3A_89 = arith.constant 4 : i32
      %mul3A_90 = arith.muli %scan3A_27, %mul3A_89 : i32
      %add3A_91 = arith.constant 2 : i32
      %add3A_92 = arith.addi %mul3A_90, %add3A_91 : i32
      %dma_wait3A_93 = arith.constant 0 : i32
      %dma_wait3A_94 = arith.constant 0 : i32
      %dma_wait3A_95 = tpu.memref_slice %arg2[%dma_wait3A_93, %dma_wait3A_94] : memref<100000x2048xf32, #tpu.memory_space<hbm>> -> memref<8x2048xf32, #tpu.memory_space<hbm>>
      %dma_wait3A_96 = arith.constant 0 : i32
      %dma_wait3A_97 = arith.constant 0 : i32
      %dma_wait3A_98 = tpu.memref_slice %arg2[%dma_wait3A_96, %dma_wait3A_97] : memref<100000x2048xf32, #tpu.memory_space<hbm>> -> memref<8x2048xf32, #tpu.memory_space<hbm>>
      tpu.wait_dma2 semaphore(%arg13 : memref<!tpu.dma_semaphore, #tpu.memory_space<semaphore_mem>>) src(%dma_wait3A_98 : memref<8x2048xf32, #tpu.memory_space<hbm>>) dst(%arg9 : memref<8x2048xf32, #tpu.memory_space<vmem>>)
      %dma_wait3A_99 = arith.constant 0 : i32
      %dma_wait3A_100 = tpu.memref_slice %arg5[%mul3A_4, %dma_wait3A_99] : memref<16384x2048xf32, #tpu.memory_space<hbm>> -> memref<8x2048xf32, #tpu.memory_space<hbm>>
      %dma_wait3A_101 = arith.constant 0 : i32
      %dma_wait3A_102 = tpu.memref_slice %arg5[%mul3A_4, %dma_wait3A_101] : memref<16384x2048xf32, #tpu.memory_space<hbm>> -> memref<8x2048xf32, #tpu.memory_space<hbm>>
      tpu.wait_dma2 semaphore(%arg16 : memref<!tpu.dma_semaphore, #tpu.memory_space<semaphore_mem>>) src(%arg8 : memref<8x2048xf32, #tpu.memory_space<vmem>>) dst(%dma_wait3A_102 : memref<8x2048xf32, #tpu.memory_space<hbm>>)
      %add3A_103 = arith.constant 4 : i32
      %add3A_104 = arith.addi %add3A_92, %add3A_103 : i32
      %sub3A_105 = arith.constant 1 : i32
      %sub3A_106 = arith.subi %add3A_104, %sub3A_105 : i32
      %lt3A_107 = arith.constant 64 : i32
      %lt3A_108 = arith.cmpi slt, %sub3A_106, %lt3A_107 : i32
      %convert_element_type3A_109 = arith.extui %lt3A_108 : i1 to i32
      %cond3A_110 = arith.constant 0 : i32
      %cond3A_111 = arith.cmpi ne, %convert_element_type3A_109, %cond3A_110 : i32
      scf.if %cond3A_111 {
        %add3A_155 = arith.constant 4 : i32
        %add3A_156 = arith.addi %add3A_92, %add3A_155 : i32
        %sub3A_157 = arith.constant 1 : i32
        %sub3A_158 = arith.subi %add3A_156, %sub3A_157 : i32
        %mul3A_159 = arith.constant 8 : i32
        %mul3A_160 = arith.muli %sub3A_158, %mul3A_159 : i32
        %dma_start3A_161 = tpu.memref_slice %arg6[%mul3A_160] : memref<512xi32, #tpu.memory_space<vmem>> -> memref<8xi32, #tpu.memory_space<vmem>>
        %dma_start3A_162 = arith.constant 0 : i32
        %dma_start3A_163 = arith.constant 0 : i32
        %dma_start3A_164 = tpu.memref_slice %arg2[%dma_start3A_162, %dma_start3A_163] : memref<100000x2048xf32, #tpu.memory_space<hbm>> -> memref<100000x2048xf32, #tpu.memory_space<hbm>>
        tpu.enqueue_indirect_dma source(%dma_start3A_164 : memref<100000x2048xf32, #tpu.memory_space<hbm>>) target(%arg8 : memref<8x2048xf32, #tpu.memory_space<vmem>>) offsets(%dma_start3A_161 : memref<8xi32, #tpu.memory_space<vmem>>) semaphore(%arg12 : memref<!tpu.dma_semaphore, #tpu.memory_space<semaphore_mem>>)
      } else {
      }
      %parallel_loop3A_112 = arith.constant 0 : i32
      %parallel_loop3A_113 = arith.constant 1024 : i32
      %parallel_loop3A_114 = arith.constant 1 : i32
      scf.for %parallel_loop3A_155 = %parallel_loop3A_112 to %parallel_loop3A_113 step %parallel_loop3A_114  : i32 {
        %parallel_loop3A_156 = arith.constant 7 : i32
        %parallel_loop3A_157 = arith.shrsi %parallel_loop3A_155, %parallel_loop3A_156 : i32
        %parallel_loop3A_158 = arith.constant 127 : i32
        %parallel_loop3A_159 = arith.andi %parallel_loop3A_155, %parallel_loop3A_158 : i32
        %parallel_loop3A_160 = arith.constant 16 : i32
        %parallel_loop3A_161 = arith.muli %parallel_loop3A_159, %parallel_loop3A_160 : i32
        %parallel_loop3A_162 = arith.index_cast %parallel_loop3A_157 : i32 to index
        %parallel_loop3A_163 = arith.index_cast %parallel_loop3A_161 : i32 to index
        %parallel_loop3A_164 = tpu.vector_load %arg9[%parallel_loop3A_162, %parallel_loop3A_163] {strides = array<i32>} : memref<8x2048xf32, #tpu.memory_space<vmem>>, vector<1x16xf32>,
        %parallel_loop3A_165 = vector.shape_cast %parallel_loop3A_164 : vector<1x16xf32> to vector<16xf32>
        %parallel_loop3A_166 = vector.broadcast %squeeze3A : f32 to vector<16xf32>
        %parallel_loop3A_167 = arith.mulf %parallel_loop3A_165, %parallel_loop3A_166 : vector<16xf32>
        %parallel_loop3A_168 = arith.index_cast %parallel_loop3A_157 : i32 to index
        %parallel_loop3A_169 = arith.index_cast %parallel_loop3A_161 : i32 to index
        %parallel_loop3A_170 = tpu.vector_load %arg9[%parallel_loop3A_168, %parallel_loop3A_169] {strides = array<i32>} : memref<8x2048xf32, #tpu.memory_space<vmem>>, vector<1x16xf32>,
        %parallel_loop3A_171 = vector.shape_cast %parallel_loop3A_170 : vector<1x16xf32> to vector<16xf32>
        %parallel_loop3A_172 = vector.shape_cast %parallel_loop3A_167 : vector<16xf32> to vector<1x16xf32>
        tpu.vector_store %arg9[%parallel_loop3A_168, %parallel_loop3A_169], %parallel_loop3A_172 {strides = array<i32>} : memref<8x2048xf32, #tpu.memory_space<vmem>>, vector<1x16xf32>,
      } {sc.loop_unroll_factor = 8 : i64, sc.parallel_access}
      %mul3A_115 = arith.constant 8 : i32
      %mul3A_116 = arith.muli %add3A_92, %mul3A_115 : i32
      %add3A_117 = arith.addi %mul3A_4, %mul3A_116 : i32
      %dma_start3A_118 = arith.constant 0 : i32
      %dma_start3A_119 = tpu.memref_slice %arg5[%add3A_117, %dma_start3A_118] : memref<16384x2048xf32, #tpu.memory_space<hbm>> -> memref<8x2048xf32, #tpu.memory_space<hbm>>
      %dma_start3A_120 = arith.constant 0 : i32
      %dma_start3A_121 = tpu.memref_slice %arg5[%add3A_117, %dma_start3A_120] : memref<16384x2048xf32, #tpu.memory_space<hbm>> -> memref<8x2048xf32, #tpu.memory_space<hbm>>
      tpu.enqueue_dma source(%arg9 : memref<8x2048xf32, #tpu.memory_space<vmem>>) target(%dma_start3A_121 : memref<8x2048xf32, #tpu.memory_space<hbm>>) target_semaphore(%arg17 : memref<!tpu.dma_semaphore, #tpu.memory_space<semaphore_mem>>)
      %mul3A_122 = arith.constant 4 : i32
      %mul3A_123 = arith.muli %scan3A_27, %mul3A_122 : i32
      %add3A_124 = arith.constant 3 : i32
      %add3A_125 = arith.addi %mul3A_123, %add3A_124 : i32
      %dma_wait3A_126 = arith.constant 0 : i32
      %dma_wait3A_127 = arith.constant 0 : i32
      %dma_wait3A_128 = tpu.memref_slice %arg2[%dma_wait3A_126, %dma_wait3A_127] : memref<100000x2048xf32, #tpu.memory_space<hbm>> -> memref<8x2048xf32, #tpu.memory_space<hbm>>
      %dma_wait3A_129 = arith.constant 0 : i32
      %dma_wait3A_130 = arith.constant 0 : i32
      %dma_wait3A_131 = tpu.memref_slice %arg2[%dma_wait3A_129, %dma_wait3A_130] : memref<100000x2048xf32, #tpu.memory_space<hbm>> -> memref<8x2048xf32, #tpu.memory_space<hbm>>
      tpu.wait_dma2 semaphore(%arg14 : memref<!tpu.dma_semaphore, #tpu.memory_space<semaphore_mem>>) src(%dma_wait3A_131 : memref<8x2048xf32, #tpu.memory_space<hbm>>) dst(%arg10 : memref<8x2048xf32, #tpu.memory_space<vmem>>)
      %dma_wait3A_132 = arith.constant 0 : i32
      %dma_wait3A_133 = tpu.memref_slice %arg5[%mul3A_4, %dma_wait3A_132] : memref<16384x2048xf32, #tpu.memory_space<hbm>> -> memref<8x2048xf32, #tpu.memory_space<hbm>>
      %dma_wait3A_134 = arith.constant 0 : i32
      %dma_wait3A_135 = tpu.memref_slice %arg5[%mul3A_4, %dma_wait3A_134] : memref<16384x2048xf32, #tpu.memory_space<hbm>> -> memref<8x2048xf32, #tpu.memory_space<hbm>>
      tpu.wait_dma2 semaphore(%arg17 : memref<!tpu.dma_semaphore, #tpu.memory_space<semaphore_mem>>) src(%arg9 : memref<8x2048xf32, #tpu.memory_space<vmem>>) dst(%dma_wait3A_135 : memref<8x2048xf32, #tpu.memory_space<hbm>>)
      %add3A_136 = arith.constant 4 : i32
      %add3A_137 = arith.addi %add3A_125, %add3A_136 : i32
      %sub3A_138 = arith.constant 1 : i32
      %sub3A_139 = arith.subi %add3A_137, %sub3A_138 : i32
      %lt3A_140 = arith.constant 64 : i32
      %lt3A_141 = arith.cmpi slt, %sub3A_139, %lt3A_140 : i32
      %convert_element_type3A_142 = arith.extui %lt3A_141 : i1 to i32
      %cond3A_143 = arith.constant 0 : i32
      %cond3A_144 = arith.cmpi ne, %convert_element_type3A_142, %cond3A_143 : i32
      scf.if %cond3A_144 {
        %add3A_155 = arith.constant 4 : i32
        %add3A_156 = arith.addi %add3A_125, %add3A_155 : i32
        %sub3A_157 = arith.constant 1 : i32
        %sub3A_158 = arith.subi %add3A_156, %sub3A_157 : i32
        %mul3A_159 = arith.constant 8 : i32
        %mul3A_160 = arith.muli %sub3A_158, %mul3A_159 : i32
        %dma_start3A_161 = tpu.memref_slice %arg6[%mul3A_160] : memref<512xi32, #tpu.memory_space<vmem>> -> memref<8xi32, #tpu.memory_space<vmem>>
        %dma_start3A_162 = arith.constant 0 : i32
        %dma_start3A_163 = arith.constant 0 : i32
        %dma_start3A_164 = tpu.memref_slice %arg2[%dma_start3A_162, %dma_start3A_163] : memref<100000x2048xf32, #tpu.memory_space<hbm>> -> memref<100000x2048xf32, #tpu.memory_space<hbm>>
        tpu.enqueue_indirect_dma source(%dma_start3A_164 : memref<100000x2048xf32, #tpu.memory_space<hbm>>) target(%arg9 : memref<8x2048xf32, #tpu.memory_space<vmem>>) offsets(%dma_start3A_161 : memref<8xi32, #tpu.memory_space<vmem>>) semaphore(%arg13 : memref<!tpu.dma_semaphore, #tpu.memory_space<semaphore_mem>>)
      } else {
      }
      %parallel_loop3A_145 = arith.constant 0 : i32
      %parallel_loop3A_146 = arith.constant 1024 : i32
      %parallel_loop3A_147 = arith.constant 1 : i32
      scf.for %parallel_loop3A_155 = %parallel_loop3A_145 to %parallel_loop3A_146 step %parallel_loop3A_147  : i32 {
        %parallel_loop3A_156 = arith.constant 7 : i32
        %parallel_loop3A_157 = arith.shrsi %parallel_loop3A_155, %parallel_loop3A_156 : i32
        %parallel_loop3A_158 = arith.constant 127 : i32
        %parallel_loop3A_159 = arith.andi %parallel_loop3A_155, %parallel_loop3A_158 : i32
        %parallel_loop3A_160 = arith.constant 16 : i32
        %parallel_loop3A_161 = arith.muli %parallel_loop3A_159, %parallel_loop3A_160 : i32
        %parallel_loop3A_162 = arith.index_cast %parallel_loop3A_157 : i32 to index
        %parallel_loop3A_163 = arith.index_cast %parallel_loop3A_161 : i32 to index
        %parallel_loop3A_164 = tpu.vector_load %arg10[%parallel_loop3A_162, %parallel_loop3A_163] {strides = array<i32>} : memref<8x2048xf32, #tpu.memory_space<vmem>>, vector<1x16xf32>,
        %parallel_loop3A_165 = vector.shape_cast %parallel_loop3A_164 : vector<1x16xf32> to vector<16xf32>
        %parallel_loop3A_166 = vector.broadcast %squeeze3A : f32 to vector<16xf32>
        %parallel_loop3A_167 = arith.mulf %parallel_loop3A_165, %parallel_loop3A_166 : vector<16xf32>
        %parallel_loop3A_168 = arith.index_cast %parallel_loop3A_157 : i32 to index
        %parallel_loop3A_169 = arith.index_cast %parallel_loop3A_161 : i32 to index
        %parallel_loop3A_170 = tpu.vector_load %arg10[%parallel_loop3A_168, %parallel_loop3A_169] {strides = array<i32>} : memref<8x2048xf32, #tpu.memory_space<vmem>>, vector<1x16xf32>,
        %parallel_loop3A_171 = vector.shape_cast %parallel_loop3A_170 : vector<1x16xf32> to vector<16xf32>
        %parallel_loop3A_172 = vector.shape_cast %parallel_loop3A_167 : vector<16xf32> to vector<1x16xf32>
        tpu.vector_store %arg10[%parallel_loop3A_168, %parallel_loop3A_169], %parallel_loop3A_172 {strides = array<i32>} : memref<8x2048xf32, #tpu.memory_space<vmem>>, vector<1x16xf32>,
      } {sc.loop_unroll_factor = 8 : i64, sc.parallel_access}
      %mul3A_148 = arith.constant 8 : i32
      %mul3A_149 = arith.muli %add3A_125, %mul3A_148 : i32
      %add3A_150 = arith.addi %mul3A_4, %mul3A_149 : i32
      %dma_start3A_151 = arith.constant 0 : i32
      %dma_start3A_152 = tpu.memref_slice %arg5[%add3A_150, %dma_start3A_151] : memref<16384x2048xf32, #tpu.memory_space<hbm>> -> memref<8x2048xf32, #tpu.memory_space<hbm>>
      %dma_start3A_153 = arith.constant 0 : i32
      %dma_start3A_154 = tpu.memref_slice %arg5[%add3A_150, %dma_start3A_153] : memref<16384x2048xf32, #tpu.memory_space<hbm>> -> memref<8x2048xf32, #tpu.memory_space<hbm>>
      tpu.enqueue_dma source(%arg10 : memref<8x2048xf32, #tpu.memory_space<vmem>>) target(%dma_start3A_154 : memref<8x2048xf32, #tpu.memory_space<hbm>>) target_semaphore(%arg18 : memref<!tpu.dma_semaphore, #tpu.memory_space<semaphore_mem>>)
    }
    %scan3A_23 = arith.constant 16 : i32
    %dma_wait3A = arith.constant 0 : i32
    %dma_wait3A_24 = tpu.memref_slice %arg5[%mul3A_4, %dma_wait3A] : memref<16384x2048xf32, #tpu.memory_space<hbm>> -> memref<8x2048xf32, #tpu.memory_space<hbm>>
    %dma_wait3A_25 = arith.constant 0 : i32
    %dma_wait3A_26 = tpu.memref_slice %arg5[%mul3A_4, %dma_wait3A_25] : memref<16384x2048xf32, #tpu.memory_space<hbm>> -> memref<8x2048xf32, #tpu.memory_space<hbm>>
    tpu.wait_dma2 semaphore(%arg18 : memref<!tpu.dma_semaphore, #tpu.memory_space<semaphore_mem>>) src(%arg10 : memref<8x2048xf32, #tpu.memory_space<vmem>>) dst(%dma_wait3A_26 : memref<8x2048xf32, #tpu.memory_space<hbm>>)
    return
  }
}

</mosaic_0001>

<sc_bundles>
// kernel: kernel.3.cloned.1.call-start
scs
__scs_entry_jumppad:
0x0: {  	(pc) =	sbr.rel $0x88, $3  }
0x1: {  	(tag) =	ssettag $0x0;
	lr =	simm.s32 $0x1  }
0x2: {  	[smem:$0x3F9F] =	sst lr;
	_ =	strace $0xD0000000  }
0x3: {  	_ = 	snop  }
0x4: {  	_ = 	snop  }
0x5: {  	_ = 	snop  }
0x6: {  	_ = 	snop  }
0x7: {  	_ = 	snop  }
__scs_overlays_trampoline_lowered:
0x8: {  	[smem:$0x3FAE] =	sst s0  }
0x9: {  	[smem:$0x3FAF] =	sst s1  }
0xa: {  	[smem:$0x3FB0] =	sst s2  }
0xb: {  	[smem:$0x3FB1] =	sst s3  }
0xc: {  	[smem:$0x3FB2] =	sst s4  }
0xd: {  	[smem:$0x3FB3] =	sst s5  }
0xe: {  	[smem:$0x3FB4] =	sst s6  }
0xf: {  	[smem:$0x3FB5] =	sst s7  }
0x10: {  	[smem:$0x3FB6] =	sst s8  }
0x11: {  	[smem:$0x3FB7] =	sst s9;
	s0 =	simm.s32 @!p0 $0x0  }
0x12: {  	s1 =	sld [smem:$0x3F9D];
	s0 =	simm.s32 @p0 $0x1  }
0x13: {  	[smem:$0x3FB8] =	sst s0;
	s0 =	simm.s32 @!p1 $0x0  }
0x14: {  	s2 =	sld [smem:$0x3F9C];
	s0 =	simm.s32 @p1 $0x1  }
0x15: {  	[smem:$0x3FB9] =	sst s0;
	s0 =	simm.s32 @!p2 $0x0  }
0x16: {  	s3 =	sld [smem:$0x3FDB];
	s0 =	simm.s32 @p2 $0x1  }
0x17: {  	s4 =	simm.s32 $0x1BF5;
	[smem:$0x3FBB] =	sst s0  }
0x18: {  	s0 =	sld [smem:$0x3F9E];
	_ =	swait.ge [sflag:s4], $0x0  }
0x19: {  	s7 =	sld [smem:$0x3F9F]  }
0x1a: {  	s8 =	sadd.s32 $0xFFFFE003, lr  }
0x1b: {  	s9 =	sadd.s32 $0xFFFFFEF7, lr;
	s5 =	simm.s32 $0xFFFFFFFF;
	p2 =	slt.u32 s8, $0xFFFFF086  }
0x1c: {  	p1 =	slt.u32 s9, $0xF7A;
	s5 =	simm.s32 @!p2 $0x0  }
0x1d: {  	s5 =	simm.s32 @p1 $0x1;
	p0 =	seq.s32 s7, s2  }
0x1e: {  	s7 =	smul.u32 @!p0 $0xF7A, s2;
	p2 =	seq.s32 @!p0 s5, $0x0  }
0x1f: {  	s9 =	smul.u32 $0xF7A, s1;
	s8 =	simm.s32 @!p0 $0x1BF5;
	p2 =	por !p2, p0  }
0x20: {  	[sflag:s8] =	ssyncset.s32 @!p0 $0xFFFFF086;
	s6 =	sadd.s32 @!p0 s3, s7;
	s7 =	simm.s32 @!p0 $0x108  }
0x21: {  	s3 =	sadd.s32 s3, s9;
	s6 =	sadd.s32 @!p0 $0x88, s6;
	s7 =	simm.s32 @p2 $0x1082  }
0x22: {  	[simem:s7], [sflag:s8] =	dma.local @!p0 [hbm:s6], $0xF7A  }
0x23: {  	s9 =	sor.u32 $0xD0000000, s2;
	s6 =	simm.s32 $0x108;
	_ =	swait.ge @!p0 [sflag:s8], $0x0  }
0x24: {  	s3 =	sadd.s32 $0x88, s3;
	s6 =	simm.s32 @!p1 $0x1082;
	[sflag:s4] =	ssyncset.s32 $0xFFFFF086  }
0x25: {  	[simem:s6], [sflag:s4] =	dma.local [hbm:s3], $0xF7A  }
0x26: {  	[smem:$0x3F9F] =	sst s1;
	(tag) =	ssettag s2;
	_ =	strace s9  }
0x27: {  	s1 =	sld [smem:$0x3FAF]  }
0x28: {  	s2 =	sld [smem:$0x3FB0]  }
0x29: {  	s4 =	sld [smem:$0x3FB2]  }
0x2a: {  	p0 =	seq.s32 s5, $0x0;
	s5 =	sld [smem:$0x3FB3]  }
0x2b: {  	s6 =	sld [smem:$0x3FB4]  }
0x2c: {  	s7 =	sld [smem:$0x3FB5]  }
0x2d: {  	s3 =	simm.s32 $0x108;
	s8 =	sld [smem:$0x3FB6]  }
0x2e: {  	s3 =	simm.s32 @!p0 $0x1082;
	s9 =	sld [smem:$0x3FB7]  }
0x2f: {  	lr =	sadd.s32 s0, s3;
	s0 =	sld [smem:$0x3FAE]  }
0x30: {  	s3 =	sld [smem:$0x3FB1]  }
0x31: {  	[smem:$0x3FBA] =	sst s10  }
0x32: {  	s10 =	sld [smem:$0x3FB8];
	_ =	sdelay $0x3  }
0x33: {  	p0 =	seq.s32 s10, $0x1;
	s10 =	sld [smem:$0x3FBA];
	_ =	sdelay $0x3  }
0x34: {  	[smem:$0x3FBA] =	sst s10  }
0x35: {  	s10 =	sld [smem:$0x3FB9];
	_ =	sdelay $0x3  }
0x36: {  	p1 =	seq.s32 s10, $0x1;
	s10 =	sld [smem:$0x3FBA];
	_ =	sdelay $0x3  }
0x37: {  	[smem:$0x3FBA] =	sst s10  }
0x38: {  	s10 =	sld [smem:$0x3FBB]  }
0x39: {  	_ = 	snop;
	(pc) =	sbr.ind lr, $3  }
0x3a: {  	_ = 	snop  }
0x3b: {  	_ = 	snop  }
0x3c: {  	p2 =	seq.s32 s10, $0x1;
	s10 =	sld [smem:$0x3FBA]  }
0x3d: {  	_ =	shalt  }
0x3e: {  	_ =	shalt  }
0x3f: {  	_ =	shalt  }
0x40: {  	_ =	shalt  }
0x41: {  	_ =	shalt  }
0x42: {  	_ =	shalt  }
0x43: {  	_ =	shalt  }
0x44: {  	_ =	shalt  }
0x45: {  	_ =	shalt  }
0x46: {  	_ =	shalt  }
0x47: {  	_ =	shalt  }
0x48: {  	_ =	shalt  }
0x49: {  	_ =	shalt  }
0x4a: {  	_ =	shalt  }
0x4b: {  	_ =	shalt  }
0x4c: {  	_ =	shalt  }
0x4d: {  	_ =	shalt  }
0x4e: {  	_ =	shalt  }
0x4f: {  	_ =	shalt  }
0x50: {  	_ =	shalt  }
0x51: {  	_ =	shalt  }
0x52: {  	_ =	shalt  }
0x53: {  	_ =	shalt  }
0x54: {  	_ =	shalt  }
0x55: {  	_ =	shalt  }
0x56: {  	_ =	shalt  }
0x57: {  	_ =	shalt  }
0x58: {  	_ =	shalt  }
0x59: {  	_ =	shalt  }
0x5a: {  	_ =	shalt  }
0x5b: {  	_ =	shalt  }
0x5c: {  	_ =	shalt  }
0x5d: {  	_ =	shalt  }
0x5e: {  	_ =	shalt  }
0x5f: {  	_ =	shalt  }
0x60: {  	_ =	shalt  }
0x61: {  	_ =	shalt  }
0x62: {  	_ =	shalt  }
0x63: {  	_ =	shalt  }
0x64: {  	_ =	shalt  }
0x65: {  	_ =	shalt  }
0x66: {  	_ =	shalt  }
0x67: {  	_ =	shalt  }
0x68: {  	_ =	shalt  }
0x69: {  	_ =	shalt  }
0x6a: {  	_ =	shalt  }
0x6b: {  	_ =	shalt  }
0x6c: {  	_ =	shalt  }
0x6d: {  	_ =	shalt  }
0x6e: {  	_ =	shalt  }
0x6f: {  	_ =	shalt  }
0x70: {  	_ =	shalt  }
0x71: {  	_ =	shalt  }
0x72: {  	_ =	shalt  }
0x73: {  	_ =	shalt  }
0x74: {  	_ =	shalt  }
0x75: {  	_ =	shalt  }
0x76: {  	_ =	shalt  }
0x77: {  	_ =	shalt  }
0x78: {  	_ =	shalt  }
0x79: {  	_ =	shalt  }
0x7a: {  	_ =	shalt  }
0x7b: {  	_ =	shalt  }
0x7c: {  	_ =	shalt  }
0x7d: {  	_ =	shalt  }
0x7e: {  	_ =	shalt  }
0x7f: {  	_ =	shalt  }
0x80: {  	_ =	shalt  }
0x81: {  	_ =	shalt  }
0x82: {  	_ =	shalt  }
0x83: {  	_ =	shalt  }
0x84: {  	_ =	shalt  }
0x85: {  	_ =	shalt  }
0x86: {  	_ =	shalt  }
0x87: {  	_ =	shalt  }
.Lfunc_end0:
.L_simem_size_0:
called_computation_lowered:
.L_overlay_start_0:
0x88: {  	s2 =	sld [smem:$0x3FD9]  }
0x89: {  	s3 =	sld [smem:$0x3FFE];
	_ =	sdelay $0x1  }
0x8a: {  	s1 =	srdreg.scid  }
0x8b: {  	s0 =	sand.u32 $0x1, s1  }
0x8c: {  	s17 =	sshll.u32 s0, $0xA;
	s2 =	sadd.s32 s3, s2  }
0x8d: {  	s2 =	sadd.s32 s2, s17  }
0x8e: {  	[smem:$0x3FC6] =	sst s2  }
0x8f: {  	_ = 	snop  }
0x90: {  	s2 =	sld [smem:$0x3FC8]  }
0x91: {  	s18 =	sld [smem:$0x3FD0];
	(tm) =	ssettm $0x1  }
0x92: {  	s4 =	sld [smem:$0x3FFB];
	_ =	sdelay $0x3  }
0x93: {  	_ =	strace s4  }
0x94: {  	s4 =	sld [smem:$0x3FFC];
	_ =	sdelay $0x3  }
0x95: {  	_ =	strace s4  }
0x96: {  	s4 =	sld [smem:$0x3FFD];
	_ =	sdelay $0x3  }
0x97: {  	_ =	strace s4  }
0x98: {  	_ =	strace $0x8FFFFFFF  }
0x99: {  	s19 =	sld [smem:$0x3FDB];
	_ =	sdelay $0x1  }
0x9a: {  	s5 =	simm.s32 $_scs_section_size  }
0x9b: {  	s6 =	simm.s32 $_size__tile_overlayer_lowered;
	s7 =	simm.s32 $_tile_overlayer_lowered  }
0x9c: {  	s22 =	simm.s32 $0x1BFF;
	s21 =	sshll.u32 s7, $0x1;
	s4 =	sadd.s32 s5, s19  }
0x9d: {  	s8 =	simm.s32 $0x0;
	s20 =	sshll.u32 s6, $0x1;
	s6 =	sadd.s32 s21, s4  }
0x9e: {  	[timem:s8], [sflag:s22] =	dma.local [hbm:s6], s20  }
0x9f: {  	_ =	swait.ge [sflag:s22], s20  }
0xa0: {  	s5 =	ssub.s32 $0x0, s20;
	[sflag:s22] =	ssyncset.done $0x0  }
0xa1: {  	[sflag:s22] =	ssyncadd.s32 s5;
	_ =	sdelay $0x1  }
0xa2: {  	s23 =	simm.s32 $0x1B8B  }
0xa3: {  	_ =	swait.ge [sflag:s23], $0x1  }
0xa4: {  	[sflag:s23] =	ssyncset.done $0x0  }
0xa5: {  	s25 =	simm.s32 $0x1B8E;
	s24 =	sld [smem:$0x3FFE];
	[sflag:s23] =	ssyncadd.s32 $0xFFFFFFFF  }
0xa6: {  	s26 =	simm.s32 $execute0_lowered;
	[smem:$0x3FD2] =	sst s25  }
0xa7: {  	s6 =	sshll.u32 s26, $0x1;
	_ =	strace $0x80000046;
	[dreg:$0x1] =	wrdreg $0xFFFFFFFF  }
0xa8: {  	s28 =	simm.s32 $_size_execute0_lowered;
	s4 =	sadd.s32 s4, s6;
	[dreg:$0x0] =	wrdreg $0x0  }
0xa9: {  	s6 =	sshll.u32 s28, $0x1;
	[dreg:$0x2] =	wrdreg s4  }
0xaa: {  	[dreg:$0x3] =	wrdreg s6  }
0xab: {  	[dreg:$0x4] =	wrdreg $0xC0  }
0xac: {  	_ =	task [dreg:s8], $0x5FFFF  }
0xad: {  	[dreg:$0x1] =	wrdreg $0xFFFFFFFF  }
0xae: {  	[dreg:$0x0] =	wrdreg $0x60  }
0xaf: {  	[dreg:$0x2] =	wrdreg s2  }
0xb0: {  	[dreg:$0x3] =	wrdreg s24  }
0xb1: {  	[dreg:$0x4] =	wrdreg s18  }
0xb2: {  	[dreg:$0x5] =	wrdreg $0x9  }
0xb3: {  	_ =	task.clear_ibuf [dreg:s8], $0x6FFFF;
	_ =	strace $0x90000046  }
0xb4: {  	s29 =	simm.s32 $0x9;
	_ =	strace $0x80000048  }
0xb5: {  	_ =	swait.ge [sflag:s29], $0x1  }
0xb6: {  	[sflag:s29] =	ssyncadd.s32 $0xFFFFFFFF  }
0xb7: {  	_ =	strace $0x90000048  }
0xb8: {  	_ =	sfence  }
0xb9: {  	s30 =	sld [smem:$0x0];
	_ =	sdelay $0x2  }
0xba: {  	s31 =	sshll.u32 s1, $0xD;
	s1 =	sshrl.u32 s1, $0x2  }
0xbb: {  	s3 =	sand.u32 $0x4000, s31;
	s1 =	sadd.s32 s1, s30  }
0xbc: {  	s0 =	sor.u32 s3, s0;
	s1 =	sshll.u32 s1, $0x11  }
0xbd: {  	s0 =	sor.u32 s1, s0  }
0xbe: {  	s0 =	sadd.s32 $0x8F2B, s0  }
0xbf: {  	[sflag:s0] =	ssyncadd.remote.s32 $0x1  }
0xc0: {  	_ =	sfence.sel $0xFFFF  }
0xc1: {  	[dreg:$0x0] =	wrdreg $0xFFFFFFFF;
	(pc) =	sbr.abs _section_cstart, $3  }
0xc2: {  	[dreg:$0x1] =	wrdreg $0xFFFFFFFF  }
0xc3: {  	_ =	task.clear_ibuf [dreg:s8], $0x2FFFF;
	_ =	strace $0x9FFFFFFF  }
0xc4: {  	(tm) =	ssettm $0x7FFFFFFF  }
0xc5: {  	_ =	shalt  }
tec
execute0_lowered:
.L_overlay_start_1:
0x0: {  	(tag) =	ssettag $0x1  }
0x1: {  	s1 =	rddreg [dreg:$0x0]  }
0x2: {  	s0 =	rddreg [dreg:$0x1]  }
0x3: {  	s3 =	rddreg [dreg:$0x2]  }
0x4: {  	s2 =	srdreg.scid;
	s5 =	stileid.u32  }
0x5: {  	s4 =	simm.s32 $0x0;
	s18 =	simm.s32 $0xC200;
	s31 =	simm.s32 $0x2  }
0x6: {  	s17 =	simm.s32 $0x4;
	s19 =	simm.s32 $0x7;
	s22 =	simm.s32 $0x0  }
0x7: {  	s2 =	sand.u32 $0x1, s2;
	s5 =	sshll.u32 s5, $0xA;
	[smem:$0x7FF] =	sst s4  }
0x8: {  	s9 =	sadd.s32 $0x100, s1;
	s10 =	sadd.s32 $0x200, s1;
	s11 =	sadd.s32 $0x300, s1  }
0x9: {  	s12 =	sadd.s32 $0x400, s1;
	s13 =	sadd.s32 $0x500, s1;
	s14 =	sadd.s32 $0x600, s1  }
0xa: {  	s15 =	sadd.s32 $0x700, s1;
	s6 =	sshll.u32 s2, $0x9;
	s2 =	ssub.s32 $0x2, s2  }
0xb: {  	_ =	strace $0x80000047;
	s5 =	sor.u32 s6, s5;
	s7 =	sshrl.u32 s2, $0x1  }
0xc: {  	s6 =	sshrl.u32 s5, $0x3;
	s28 =	ssub.s32 s2, s7;
	s30 =	sshll.u32 s5, $0x8  }
0xd: {  	s2 =	simm.s32 $0x1;
	s8 =	sadd.s32 s6, s0;
	s0 =	sadd.s32 $0xC00, s0  }
0xe: {  	v0 =	vlaneseq.u32;
	s7 =	simm.s32 $0x3;
	[dreg:$0x4] =	wrdreg s0;
	s29 =	sadd.s32 $0x400, s8  }
0xf: {  	v1 =	vshrl.u32 v0, $0x3;
	s16 =	sadd.s32 s3, s30;
	s0 =	smax.u32 s28, $0x1;
	[dreg:$0x5] =	wrdreg s29  }
0x10: {  	vm0 =	vmmov $0xffff;
	v0 =	vand.u32 $0x7, v0;
	v1 =	vmul.u32 $0x8, v1;
	s8 =	simm.s32 $0x6;
	[dreg:$0x6] =	wrdreg s0;
	s0 =	simm.s32 $0x5  }
.LBB2_1:
0x11: {  	[dreg:$0x7] =	wrdreg s22  }
0x12: {  	s20 =	rddreg [dreg:$0x4];
	s21 =	simm.s32 $0x10200;
	s22 =	simm.s32 $0x9  }
0x13: {  	[tilespmem:s21], [sflag:$0x9] =	stream.linear.gather [hbm4b:s20+s4], $0x1, $0x38;
	[tilespmem:$0x10280] =	vst v63  }
0x14: {  	_ =	swait.ge [sflag:s22], $0x1  }
0x15: {  	[sflag:s22] =	ssyncset.done $0x0  }
0x16: {  	s23 =	rddreg [dreg:$0x5];
	[sflag:s22] =	ssyncadd.s32 $0xFFFFFFFF  }
0x17: {  	v2 =	vld.msk [tilespmem:$0x10200 ss:$0x0], $0xffff;
	[tilespmem:s4], [sflag:$0x9] =	stream.linear.gather [hbm4b:s23+s4], $0x200, $0x38  }
0x18: {  	_ =	swait.ge [sflag:s22], $0x200  }
0x19: {  	[sflag:s22] =	ssyncset.done $0x0  }
0x1a: {  	[sflag:s22] =	ssyncadd.s32 $0xFFFFFE00  }
0x1b: {  	v3 =	vld.msk [tilespmem:$0x0], $0xff;
	_ =	sdelay $0x4  }
0x1c: {  	v4 =	vshll.u32 v3, $0x4  }
0x1d: {  	v3 =	vand.u32 $0x7, v3;
	v4 =	vand.u32 $0xFFFFFF80, v4  }
0x1e: {  	v3 =	vor.u32 v3, v4  }
0x1f: {  	v3 =	vperm.xlane v3, v0;
	_ =	sdelay $0x1  }
0x20: {  	v3 =	vadd.s32 v1, v3;
	_ =	sdelay $0x3  }
0x21: {  	s24 =	simm.s32 $0x200  }
0x22: {  	[tilespmem:s24], [sflag:$0x1] =	stream.indirect_vreg.gather [hbm4b:s1+s4], $0x80, v3, vm0, $0xb8;
	[tilespmem:$0x10280] =	vst v63  }
0x23: {  	s25 =	simm.s32 $0xA00  }
0x24: {  	[tilespmem:s25], [sflag:$0x1] =	stream.indirect_vreg.gather [hbm4b:s9+s4], $0x80, v3, vm0, $0xb8;
	[tilespmem:$0x10280] =	vst v63  }
0x25: {  	s26 =	simm.s32 $0x1200  }
0x26: {  	[tilespmem:s26], [sflag:$0x1] =	stream.indirect_vreg.gather [hbm4b:s10+s4], $0x80, v3, vm0, $0xb8;
	[tilespmem:$0x10280] =	vst v63  }
0x27: {  	s28 =	simm.s32 $0x1A00  }
0x28: {  	[tilespmem:s28], [sflag:$0x1] =	stream.indirect_vreg.gather [hbm4b:s11+s4], $0x80, v3, vm0, $0xb8;
	[tilespmem:$0x10280] =	vst v63  }
0x29: {  	s29 =	simm.s32 $0x2200  }
0x2a: {  	[tilespmem:s29], [sflag:$0x1] =	stream.indirect_vreg.gather [hbm4b:s12+s4], $0x80, v3, vm0, $0xb8;
	[tilespmem:$0x10280] =	vst v63  }
0x2b: {  	s30 =	simm.s32 $0x2A00  }
0x2c: {  	[tilespmem:s30], [sflag:$0x1] =	stream.indirect_vreg.gather [hbm4b:s13+s4], $0x80, v3, vm0, $0xb8;
	[tilespmem:$0x10280] =	vst v63  }
0x2d: {  	s21 =	simm.s32 $0x3200  }
0x2e: {  	[tilespmem:s21], [sflag:$0x1] =	stream.indirect_vreg.gather [hbm4b:s14+s4], $0x80, v3, vm0, $0xb8;
	[tilespmem:$0x10280] =	vst v63  }
0x2f: {  	s22 =	simm.s32 $0x3A00  }
0x30: {  	[tilespmem:s22], [sflag:$0x1] =	stream.indirect_vreg.gather [hbm4b:s15+s4], $0x80, v3, vm0, $0xb8;
	[tilespmem:$0x10280] =	vst v63  }
0x31: {  	v3 =	vld.msk [tilespmem:$0x8], $0xff;
	_ =	sdelay $0x4  }
0x32: {  	v62 =	vshll.u32 v3, $0x4  }
0x33: {  	v3 =	vand.u32 $0x7, v3;
	v4 =	vand.u32 $0xFFFFFF80, v62  }
0x34: {  	v3 =	vor.u32 v3, v4  }
0x35: {  	v3 =	vperm.xlane v3, v0;
	_ =	sdelay $0x1  }
0x36: {  	v3 =	vadd.s32 v1, v3;
	_ =	sdelay $0x3  }
0x37: {  	s23 =	simm.s32 $0x4200  }
0x38: {  	[tilespmem:s23], [sflag:$0x2] =	stream.indirect_vreg.gather [hbm4b:s1+s4], $0x80, v3, vm0, $0xb8;
	[tilespmem:$0x10280] =	vst v63  }
0x39: {  	s24 =	simm.s32 $0x4A00  }
0x3a: {  	[tilespmem:s24], [sflag:$0x2] =	stream.indirect_vreg.gather [hbm4b:s9+s4], $0x80, v3, vm0, $0xb8;
	[tilespmem:$0x10280] =	vst v63  }
0x3b: {  	s25 =	simm.s32 $0x5200  }
0x3c: {  	[tilespmem:s25], [sflag:$0x2] =	stream.indirect_vreg.gather [hbm4b:s10+s4], $0x80, v3, vm0, $0xb8;
	[tilespmem:$0x10280] =	vst v63  }
0x3d: {  	s26 =	simm.s32 $0x5A00  }
0x3e: {  	[tilespmem:s26], [sflag:$0x2] =	stream.indirect_vreg.gather [hbm4b:s11+s4], $0x80, v3, vm0, $0xb8;
	[tilespmem:$0x10280] =	vst v63  }
0x3f: {  	s28 =	simm.s32 $0x6200  }
0x40: {  	[tilespmem:s28], [sflag:$0x2] =	stream.indirect_vreg.gather [hbm4b:s12+s4], $0x80, v3, vm0, $0xb8;
	[tilespmem:$0x10280] =	vst v63  }
0x41: {  	s29 =	simm.s32 $0x6A00  }
0x42: {  	[tilespmem:s29], [sflag:$0x2] =	stream.indirect_vreg.gather [hbm4b:s13+s4], $0x80, v3, vm0, $0xb8;
	[tilespmem:$0x10280] =	vst v63  }
0x43: {  	s30 =	simm.s32 $0x7200  }
0x44: {  	[tilespmem:s30], [sflag:$0x2] =	stream.indirect_vreg.gather [hbm4b:s14+s4], $0x80, v3, vm0, $0xb8;
	[tilespmem:$0x10280] =	vst v63  }
0x45: {  	s21 =	simm.s32 $0x7A00  }
0x46: {  	[tilespmem:s21], [sflag:$0x2] =	stream.indirect_vreg.gather [hbm4b:s15+s4], $0x80, v3, vm0, $0xb8;
	[tilespmem:$0x10280] =	vst v63  }
0x47: {  	v3 =	vld.msk [tilespmem:$0x10], $0xff;
	_ =	sdelay $0x4  }
0x48: {  	v63 =	vshll.u32 v3, $0x4  }
0x49: {  	v3 =	vand.u32 $0x7, v3;
	v4 =	vand.u32 $0xFFFFFF80, v63  }
0x4a: {  	v3 =	vor.u32 v3, v4  }
0x4b: {  	v3 =	vperm.xlane v3, v0;
	_ =	sdelay $0x1  }
0x4c: {  	v3 =	vadd.s32 v1, v3;
	_ =	sdelay $0x3  }
0x4d: {  	s22 =	simm.s32 $0x8200  }
0x4e: {  	[tilespmem:s22], [sflag:$0x3] =	stream.indirect_vreg.gather [hbm4b:s1+s4], $0x80, v3, vm0, $0xb8;
	[tilespmem:$0x10280] =	vst v63  }
0x4f: {  	s23 =	simm.s32 $0x8A00  }
0x50: {  	[tilespmem:s23], [sflag:$0x3] =	stream.indirect_vreg.gather [hbm4b:s9+s4], $0x80, v3, vm0, $0xb8;
	[tilespmem:$0x10280] =	vst v63  }
0x51: {  	s24 =	simm.s32 $0x9200  }
0x52: {  	[tilespmem:s24], [sflag:$0x3] =	stream.indirect_vreg.gather [hbm4b:s10+s4], $0x80, v3, vm0, $0xb8;
	[tilespmem:$0x10280] =	vst v63  }
0x53: {  	s25 =	simm.s32 $0x9A00  }
0x54: {  	[tilespmem:s25], [sflag:$0x3] =	stream.indirect_vreg.gather [hbm4b:s11+s4], $0x80, v3, vm0, $0xb8;
	[tilespmem:$0x10280] =	vst v63  }
0x55: {  	s26 =	simm.s32 $0xA200  }
0x56: {  	[tilespmem:s26], [sflag:$0x3] =	stream.indirect_vreg.gather [hbm4b:s12+s4], $0x80, v3, vm0, $0xb8;
	[tilespmem:$0x10280] =	vst v63  }
0x57: {  	s28 =	simm.s32 $0xAA00  }
0x58: {  	[tilespmem:s28], [sflag:$0x3] =	stream.indirect_vreg.gather [hbm4b:s13+s4], $0x80, v3, vm0, $0xb8;
	[tilespmem:$0x10280] =	vst v63  }
0x59: {  	s29 =	simm.s32 $0xB200  }
0x5a: {  	[tilespmem:s29], [sflag:$0x3] =	stream.indirect_vreg.gather [hbm4b:s14+s4], $0x80, v3, vm0, $0xb8;
	[tilespmem:$0x10280] =	vst v63  }
0x5b: {  	s20 =	simm.s32 $0x0;
	s30 =	simm.s32 $0xBA00  }
0x5c: {  	[tilespmem:s30], [sflag:$0x3] =	stream.indirect_vreg.gather [hbm4b:s15+s4], $0x80, v3, vm0, $0xb8;
	[tilespmem:$0x10280] =	vst v63  }
.LBB2_2:
0x5d: {  	_ =	swait.ge [sflag:s2], $0x4000  }
0x5e: {  	p0 =	seq.s32 s20, $0x0;
	[sflag:s2] =	ssyncset.done $0x0  }
0x5f: {  	s21 =	sshll.u32 s20, $0x2;
	s22 =	simm.s32 @!p0 $0x8;
	[sflag:s2] =	ssyncadd.s32 $0xFFFFC000  }
0x60: {  	s21 =	sor.u32 $0x3, s21;
	_ =	swait.ge @!p0 [sflag:s22], $0x4000  }
0x61: {  	s24 =	sshll.u32 s21, $0x3;
	[sflag:s22] =	ssyncset.done @!p0 $0x0  }
0x62: {  	s28 =	sand.u32 $0x3FFFFFF8, s24;
	[sflag:s22] =	ssyncadd.s32 @!p0 $0xFFFFC000  }
0x63: {  	v3 =	vld.msk [tilespmem:s28+$0x0], $0xff;
	_ =	sdelay $0x4  }
0x64: {  	v4 =	vshll.u32 v3, $0x4  }
0x65: {  	v3 =	vand.u32 $0x7, v3;
	v4 =	vand.u32 $0xFFFFFF80, v4  }
0x66: {  	v3 =	vor.u32 v3, v4  }
0x67: {  	v3 =	vperm.xlane v3, v0;
	_ =	sdelay $0x1  }
0x68: {  	v3 =	vadd.s32 v1, v3;
	_ =	sdelay $0x3  }
0x69: {  	s22 =	simm.s32 $0x0  }
0x6a: {  	[tilespmem:s18], [sflag:$0x4] =	stream.indirect_vreg.gather [hbm4b:s1+s22], $0x80, v3, vm0, $0xb8;
	[tilespmem:$0x10280] =	vst v63  }
0x6b: {  	s23 =	simm.s32 $0xCA00  }
0x6c: {  	[tilespmem:s23], [sflag:$0x4] =	stream.indirect_vreg.gather [hbm4b:s9+s22], $0x80, v3, vm0, $0xb8;
	[tilespmem:$0x10280] =	vst v63  }
0x6d: {  	s29 =	simm.s32 $0xD200  }
0x6e: {  	[tilespmem:s29], [sflag:$0x4] =	stream.indirect_vreg.gather [hbm4b:s10+s22], $0x80, v3, vm0, $0xb8;
	[tilespmem:$0x10280] =	vst v63  }
0x6f: {  	s30 =	simm.s32 $0xDA00  }
0x70: {  	[tilespmem:s30], [sflag:$0x4] =	stream.indirect_vreg.gather [hbm4b:s11+s22], $0x80, v3, vm0, $0xb8;
	[tilespmem:$0x10280] =	vst v63  }
0x71: {  	s24 =	simm.s32 $0xE200  }
0x72: {  	[tilespmem:s24], [sflag:$0x4] =	stream.indirect_vreg.gather [hbm4b:s12+s22], $0x80, v3, vm0, $0xb8;
	[tilespmem:$0x10280] =	vst v63  }
0x73: {  	s25 =	simm.s32 $0xEA00  }
0x74: {  	[tilespmem:s25], [sflag:$0x4] =	stream.indirect_vreg.gather [hbm4b:s13+s22], $0x80, v3, vm0, $0xb8;
	[tilespmem:$0x10280] =	vst v63  }
0x75: {  	s26 =	simm.s32 $0xF200  }
0x76: {  	[tilespmem:s26], [sflag:$0x4] =	stream.indirect_vreg.gather [hbm4b:s14+s22], $0x80, v3, vm0, $0xb8;
	[tilespmem:$0x10280] =	vst v63  }
0x77: {  	s28 =	simm.s32 $0xFA00;
	s29 =	simm.s32 $0x0  }
0x78: {  	[tilespmem:s28], [sflag:$0x4] =	stream.indirect_vreg.gather [hbm4b:s15+s22], $0x80, v3, vm0, $0xb8;
	[tilespmem:$0x10280] =	vst v63  }
0x79: {  	s24 =	sand.u32 $0x380, s29;
	s22 =	sand.u32 $0x3C00, s22  }
0x7a: {  	s24 =	sor.u32 s24, s22  }
0x7b: {  	v3 =	vld [tilespmem:s24+$0x270]  }
0x7c: {  	v4 =	vld [tilespmem:s24+$0x200]  }
0x7d: {  	v5 =	vld [tilespmem:s24+$0x210]  }
0x7e: {  	v6 =	vld [tilespmem:s24+$0x220]  }
0x7f: {  	v8 =	vld [tilespmem:s24+$0x230]  }
0x80: {  	s25 =	simm.s32 $0x8;
	s26 =	simm.s32 $0x400;
	v9 =	vld [tilespmem:s24+$0x240];
	v3 =	vmul.f32 v3, v2  }
0x81: {  	s30 =	sand.u32 $0x3C00, s26;
	s28 =	sand.u32 $0x380, s25;
	v10 =	vld [tilespmem:s24+$0x250];
	v4 =	vmul.f32 v4, v2  }
0x82: {  	s22 =	sor.u32 s28, s30;
	v12 =	vld [tilespmem:s24+$0x260];
	v11 =	vmul.f32 v5, v2;
	[tilespmem:s24+$0x270] =	vst v3  }
0x83: {  	v7 =	vld [tilespmem:s22+$0x270];
	[tilespmem:s24+$0x200] =	vst v4;
	v3 =	vmul.f32 v6, v2  }
0x84: {  	v5 =	vld [tilespmem:s22+$0x200];
	[tilespmem:s24+$0x210] =	vst v11;
	v4 =	vmul.f32 v8, v2  }
0x85: {  	v6 =	vld [tilespmem:s22+$0x210];
	v8 =	vmul.f32 v9, v2;
	[tilespmem:s24+$0x220] =	vst v3  }
0x86: {  	v9 =	vmul.f32 v10, v2;
	v3 =	vld [tilespmem:s22+$0x220];
	[tilespmem:s24+$0x230] =	vst v4  }
0x87: {  	v4 =	vld [tilespmem:s22+$0x230];
	[tilespmem:s24+$0x240] =	vst v8;
	v8 =	vmul.f32 v12, v2  }
.LBB2_3:
0x88: {  	s25 =	sadd.s32 $0x8, s25;
	v10 =	vld [tilespmem:s22+$0x240];
	v7 =	vmul.f32 v7, v2;
	s26 =	sadd.s32 $0x400, s26;
	[tilespmem:s24+$0x250] =	vst v9  }
0x89: {  	s28 =	sand.u32 $0x3C00, s26;
	s29 =	sand.u32 $0x380, s25;
	p0 =	slt.u32 s25, $0x3F8;
	v5 =	vmul.f32 v5, v2;
	v9 =	vld [tilespmem:s22+$0x250];
	[tilespmem:s24+$0x260] =	vst v8  }
0x8a: {  	s24 =	smov.u32 s22;
	v6 =	vmul.f32 v6, v2;
	v8 =	vld [tilespmem:s22+$0x260];
	[tilespmem:s22+$0x270] =	vst v7;
	s22 =	sor.u32 s29, s28  }
.Ltmp0:
0x8b: {  	v7 =	vld [tilespmem:s22+$0x270];
	[tilespmem:s24+$0x200] =	vst v5;
	v3 =	vmul.f32 v3, v2;
	(pc) =	sbr.rel @p0 .LBB2_3-.Ltmp0, $4  }
0x8c: {  	v5 =	vld [tilespmem:s22+$0x200];
	[tilespmem:s24+$0x210] =	vst v6;
	v4 =	vmul.f32 v4, v2  }
0x8d: {  	v6 =	vld [tilespmem:s22+$0x210];
	[tilespmem:s24+$0x220] =	vst v3;
	v10 =	vmul.f32 v10, v2  }
0x8e: {  	v3 =	vld [tilespmem:s22+$0x220];
	[tilespmem:s24+$0x230] =	vst v4;
	v9 =	vmul.f32 v9, v2  }
0x8f: {  	v4 =	vld [tilespmem:s22+$0x230];
	[tilespmem:s24+$0x240] =	vst v10;
	v8 =	vmul.f32 v8, v2  }
0x90: {  	v10 =	vld [tilespmem:s22+$0x240];
	v7 =	vmul.f32 v7, v2;
	[tilespmem:s24+$0x250] =	vst v9  }
0x91: {  	v9 =	vld [tilespmem:s22+$0x250];
	v5 =	vmul.f32 v5, v2;
	[tilespmem:s24+$0x260] =	vst v8  }
0x92: {  	v8 =	vld [tilespmem:s22+$0x260];
	v6 =	vmul.f32 v6, v2;
	[tilespmem:s22+$0x270] =	vst v7  }
0x93: {  	[tilespmem:s22+$0x200] =	vst v5;
	v3 =	vmul.f32 v3, v2  }
0x94: {  	[tilespmem:s22+$0x210] =	vst v6;
	v4 =	vmul.f32 v4, v2  }
0x95: {  	[tilespmem:s22+$0x220] =	vst v3;
	v3 =	vmul.f32 v10, v2  }
0x96: {  	[tilespmem:s22+$0x230] =	vst v4;
	v4 =	vmul.f32 v9, v2  }
0x97: {  	[tilespmem:s22+$0x240] =	vst v3;
	v3 =	vmul.f32 v8, v2  }
0x98: {  	s25 =	sshll.u32 s20, $0xD;
	[tilespmem:s22+$0x250] =	vst v4  }
0x99: {  	s23 =	simm.s32 $0x200;
	s26 =	sadd.s32 s25, s16;
	[tilespmem:s22+$0x260] =	vst v3  }
0x9a: {  	[hbm4b:s26+s4] =	stream.linear.scatter [tilespmem:s23], [sflag:$0x5], $0x4000, $0x38;
	[tilespmem:$0x10280] =	vst v63  }
0x9b: {  	_ =	swait.ge [sflag:s31], $0x4000  }
0x9c: {  	[sflag:s31] =	ssyncset.done $0x0  }
0x9d: {  	[sflag:s31] =	ssyncadd.s32 $0xFFFFC000  }
0x9e: {  	p0 =	seq.s32 s20, $0xF;
	_ =	swait.ge [sflag:s0], $0x4000  }
0x9f: {  	s22 =	sshll.u32 @!p0 s20, $0x5;
	[sflag:s0] =	ssyncset.done $0x0  }
0xa0: {  	s22 =	sand.u32 @!p0 $0x3FFFFFE0, s22;
	[sflag:s0] =	ssyncadd.s32 $0xFFFFC000  }
0xa1: {  	v3 =	vld.msk @!p0 [tilespmem:s22+$0x20], $0xff;
	_ =	sdelay $0x4  }
0xa2: {  	v4 =	vshll.u32 @!p0 v3, $0x4  }
0xa3: {  	v5 =	vlaneseq.u32 @!p0;
	v3 =	vand.u32 @!p0 $0x7, v3;
	v4 =	vand.u32 @!p0 $0xFFFFFF80, v4  }
0xa4: {  	v3 =	vor.u32 @!p0 v3, v4;
	v4 =	vand.u32 @!p0 $0x7, v5;
	v5 =	vshrl.u32 @!p0 v5, $0x3  }
0xa5: {  	v3 =	vperm.xlane @!p0 v3, v4;
	v4 =	vmul.u32 @!p0 $0x8, v5;
	_ =	sdelay $0x1  }
0xa6: {  	v3 =	vadd.s32 @!p0 v4, v3;
	_ =	sdelay $0x3  }
0xa7: {  	vm1 =	vmmov @!p0 $0xffff;
	s24 =	simm.s32 @!p0 $0x0;
	s25 =	simm.s32 @!p0 $0x200  }
0xa8: {  	[tilespmem:s25], [sflag:$0x1] =	stream.indirect_vreg.gather @!p0 [hbm4b:s1+s24], $0x80, v3, vm1, $0xb8;
	[tilespmem:$0x10280] =	vst v63  }
0xa9: {  	s25 =	simm.s32 @!p0 $0xA00  }
0xaa: {  	[tilespmem:s25], [sflag:$0x1] =	stream.indirect_vreg.gather @!p0 [hbm4b:s9+s24], $0x80, v3, vm1, $0xb8;
	[tilespmem:$0x10280] =	vst v63  }
0xab: {  	s25 =	simm.s32 @!p0 $0x1200  }
0xac: {  	[tilespmem:s25], [sflag:$0x1] =	stream.indirect_vreg.gather @!p0 [hbm4b:s10+s24], $0x80, v3, vm1, $0xb8;
	[tilespmem:$0x10280] =	vst v63  }
0xad: {  	s25 =	simm.s32 @!p0 $0x1A00  }
0xae: {  	[tilespmem:s25], [sflag:$0x1] =	stream.indirect_vreg.gather @!p0 [hbm4b:s11+s24], $0x80, v3, vm1, $0xb8;
	[tilespmem:$0x10280] =	vst v63  }
0xaf: {  	s25 =	simm.s32 @!p0 $0x2200  }
0xb0: {  	[tilespmem:s25], [sflag:$0x1] =	stream.indirect_vreg.gather @!p0 [hbm4b:s12+s24], $0x80, v3, vm1, $0xb8;
	[tilespmem:$0x10280] =	vst v63  }
0xb1: {  	s25 =	simm.s32 @!p0 $0x2A00  }
0xb2: {  	[tilespmem:s25], [sflag:$0x1] =	stream.indirect_vreg.gather @!p0 [hbm4b:s13+s24], $0x80, v3, vm1, $0xb8;
	[tilespmem:$0x10280] =	vst v63  }
0xb3: {  	s25 =	simm.s32 @!p0 $0x3200  }
0xb4: {  	[tilespmem:s25], [sflag:$0x1] =	stream.indirect_vreg.gather @!p0 [hbm4b:s14+s24], $0x80, v3, vm1, $0xb8;
	[tilespmem:$0x10280] =	vst v63  }
0xb5: {  	s28 =	simm.s32 $0x0;
	s30 =	simm.s32 $0x0;
	s25 =	simm.s32 @!p0 $0x3A00  }
0xb6: {  	[tilespmem:s25], [sflag:$0x1] =	stream.indirect_vreg.gather @!p0 [hbm4b:s15+s24], $0x80, v3, vm1, $0xb8;
	[tilespmem:$0x10280] =	vst v63  }
0xb7: {  	s24 =	sand.u32 $0x3C00, s28;
	s25 =	sand.u32 $0x380, s30  }
0xb8: {  	s24 =	sor.u32 s25, s24  }
0xb9: {  	v3 =	vld [tilespmem:s24+$0x4270]  }
0xba: {  	v4 =	vld [tilespmem:s24+$0x4200]  }
0xbb: {  	v5 =	vld [tilespmem:s24+$0x4210]  }
0xbc: {  	v6 =	vld [tilespmem:s24+$0x4220]  }
0xbd: {  	v8 =	vld [tilespmem:s24+$0x4230]  }
0xbe: {  	s26 =	simm.s32 $0x400;
	s25 =	simm.s32 $0x8;
	v9 =	vld [tilespmem:s24+$0x4240];
	v3 =	vmul.f32 v3, v2  }
0xbf: {  	s28 =	sand.u32 $0x3C00, s26;
	s29 =	sand.u32 $0x380, s25;
	v10 =	vld [tilespmem:s24+$0x4250];
	v4 =	vmul.f32 v4, v2  }
0xc0: {  	v12 =	vld [tilespmem:s24+$0x4260];
	s29 =	sor.u32 s29, s28;
	v11 =	vmul.f32 v5, v2;
	[tilespmem:s24+$0x4270] =	vst v3  }
0xc1: {  	v7 =	vld [tilespmem:s29+$0x4270];
	[tilespmem:s24+$0x4200] =	vst v4;
	v3 =	vmul.f32 v6, v2  }
0xc2: {  	v5 =	vld [tilespmem:s29+$0x4200];
	[tilespmem:s24+$0x4210] =	vst v11;
	v4 =	vmul.f32 v8, v2  }
0xc3: {  	v6 =	vld [tilespmem:s29+$0x4210];
	v8 =	vmul.f32 v9, v2;
	[tilespmem:s24+$0x4220] =	vst v3  }
0xc4: {  	v9 =	vmul.f32 v10, v2;
	v3 =	vld [tilespmem:s29+$0x4220];
	[tilespmem:s24+$0x4230] =	vst v4  }
0xc5: {  	v4 =	vld [tilespmem:s29+$0x4230];
	[tilespmem:s24+$0x4240] =	vst v8;
	v8 =	vmul.f32 v12, v2  }
.LBB2_5:
0xc6: {  	s25 =	sadd.s32 $0x8, s25;
	v10 =	vld [tilespmem:s29+$0x4240];
	v7 =	vmul.f32 v7, v2;
	s26 =	sadd.s32 $0x400, s26;
	[tilespmem:s24+$0x4250] =	vst v9  }
0xc7: {  	s28 =	sand.u32 $0x3C00, s26;
	s30 =	sand.u32 $0x380, s25;
	p1 =	slt.u32 s25, $0x3F8;
	v5 =	vmul.f32 v5, v2;
	v9 =	vld [tilespmem:s29+$0x4250];
	[tilespmem:s24+$0x4260] =	vst v8  }
0xc8: {  	s24 =	smov.u32 s29;
	v6 =	vmul.f32 v6, v2;
	v8 =	vld [tilespmem:s29+$0x4260];
	[tilespmem:s29+$0x4270] =	vst v7;
	s29 =	sor.u32 s30, s28  }
.Ltmp1:
0xc9: {  	v7 =	vld [tilespmem:s29+$0x4270];
	[tilespmem:s24+$0x4200] =	vst v5;
	v3 =	vmul.f32 v3, v2;
	(pc) =	sbr.rel @p1 .LBB2_5-.Ltmp1, $4  }
0xca: {  	v5 =	vld [tilespmem:s29+$0x4200];
	[tilespmem:s24+$0x4210] =	vst v6;
	v4 =	vmul.f32 v4, v2  }
0xcb: {  	v6 =	vld [tilespmem:s29+$0x4210];
	[tilespmem:s24+$0x4220] =	vst v3;
	v10 =	vmul.f32 v10, v2  }
0xcc: {  	v3 =	vld [tilespmem:s29+$0x4220];
	[tilespmem:s24+$0x4230] =	vst v4;
	v9 =	vmul.f32 v9, v2  }
0xcd: {  	v4 =	vld [tilespmem:s29+$0x4230];
	[tilespmem:s24+$0x4240] =	vst v10;
	v8 =	vmul.f32 v8, v2  }
0xce: {  	v10 =	vld [tilespmem:s29+$0x4240];
	v7 =	vmul.f32 v7, v2;
	[tilespmem:s24+$0x4250] =	vst v9  }
0xcf: {  	v9 =	vld [tilespmem:s29+$0x4250];
	v5 =	vmul.f32 v5, v2;
	[tilespmem:s24+$0x4260] =	vst v8  }
0xd0: {  	v8 =	vld [tilespmem:s29+$0x4260];
	v6 =	vmul.f32 v6, v2;
	[tilespmem:s29+$0x4270] =	vst v7  }
0xd1: {  	[tilespmem:s29+$0x4200] =	vst v5;
	v3 =	vmul.f32 v3, v2  }
0xd2: {  	[tilespmem:s29+$0x4210] =	vst v6;
	v4 =	vmul.f32 v4, v2  }
0xd3: {  	s25 =	sshll.u32 s20, $0x5;
	[tilespmem:s29+$0x4220] =	vst v3;
	v3 =	vmul.f32 v10, v2  }
0xd4: {  	s24 =	sadd.s32 s25, s5;
	[tilespmem:s29+$0x4230] =	vst v4;
	v4 =	vmul.f32 v9, v2  }
0xd5: {  	s24 =	sshll.u32 s24, $0x8;
	[tilespmem:s29+$0x4240] =	vst v3;
	v3 =	vmul.f32 v8, v2  }
0xd6: {  	s24 =	sadd.s32 s3, s24;
	[tilespmem:s29+$0x4250] =	vst v4  }
0xd7: {  	s23 =	simm.s32 $0x4200;
	s25 =	sadd.s32 $0x800, s24;
	[tilespmem:s29+$0x4260] =	vst v3  }
0xd8: {  	[hbm4b:s25+s4] =	stream.linear.scatter [tilespmem:s23], [sflag:$0x6], $0x4000, $0x38;
	[tilespmem:$0x10280] =	vst v63  }
0xd9: {  	_ =	swait.ge [sflag:s7], $0x4000  }
0xda: {  	[sflag:s7] =	ssyncset.done $0x0  }
0xdb: {  	[sflag:s7] =	ssyncadd.s32 $0xFFFFC000  }
0xdc: {  	_ =	swait.ge [sflag:s8], $0x4000  }
0xdd: {  	[sflag:s8] =	ssyncset.done $0x0  }
0xde: {  	[sflag:s8] =	ssyncadd.s32 $0xFFFFC000  }
0xdf: {  	v3 =	vld.msk @!p0 [tilespmem:s22+$0x28], $0xff;
	_ =	sdelay $0x4  }
0xe0: {  	v4 =	vshll.u32 @!p0 v3, $0x4  }
0xe1: {  	v5 =	vlaneseq.u32 @!p0;
	v3 =	vand.u32 @!p0 $0x7, v3;
	v4 =	vand.u32 @!p0 $0xFFFFFF80, v4  }
0xe2: {  	v3 =	vor.u32 @!p0 v3, v4;
	v4 =	vand.u32 @!p0 $0x7, v5;
	v5 =	vshrl.u32 @!p0 v5, $0x3  }
0xe3: {  	v3 =	vperm.xlane @!p0 v3, v4;
	v4 =	vmul.u32 @!p0 $0x8, v5;
	_ =	sdelay $0x1  }
0xe4: {  	v3 =	vadd.s32 @!p0 v4, v3;
	_ =	sdelay $0x3  }
0xe5: {  	s26 =	simm.s32 @!p0 $0x4200;
	s25 =	simm.s32 @!p0 $0x0  }
0xe6: {  	[tilespmem:s26], [sflag:$0x2] =	stream.indirect_vreg.gather @!p0 [hbm4b:s1+s25], $0x80, v3, vm1, $0xb8;
	[tilespmem:$0x10280] =	vst v63  }
0xe7: {  	s26 =	simm.s32 @!p0 $0x4A00  }
0xe8: {  	[tilespmem:s26], [sflag:$0x2] =	stream.indirect_vreg.gather @!p0 [hbm4b:s9+s25], $0x80, v3, vm1, $0xb8;
	[tilespmem:$0x10280] =	vst v63  }
0xe9: {  	s26 =	simm.s32 @!p0 $0x5200  }
0xea: {  	[tilespmem:s26], [sflag:$0x2] =	stream.indirect_vreg.gather @!p0 [hbm4b:s10+s25], $0x80, v3, vm1, $0xb8;
	[tilespmem:$0x10280] =	vst v63  }
0xeb: {  	s26 =	simm.s32 @!p0 $0x5A00  }
0xec: {  	[tilespmem:s26], [sflag:$0x2] =	stream.indirect_vreg.gather @!p0 [hbm4b:s11+s25], $0x80, v3, vm1, $0xb8;
	[tilespmem:$0x10280] =	vst v63  }
0xed: {  	s26 =	simm.s32 @!p0 $0x6200  }
0xee: {  	[tilespmem:s26], [sflag:$0x2] =	stream.indirect_vreg.gather @!p0 [hbm4b:s12+s25], $0x80, v3, vm1, $0xb8;
	[tilespmem:$0x10280] =	vst v63  }
0xef: {  	s26 =	simm.s32 @!p0 $0x6A00  }
0xf0: {  	[tilespmem:s26], [sflag:$0x2] =	stream.indirect_vreg.gather @!p0 [hbm4b:s13+s25], $0x80, v3, vm1, $0xb8;
	[tilespmem:$0x10280] =	vst v63  }
0xf1: {  	s26 =	simm.s32 @!p0 $0x7200  }
0xf2: {  	[tilespmem:s26], [sflag:$0x2] =	stream.indirect_vreg.gather @!p0 [hbm4b:s14+s25], $0x80, v3, vm1, $0xb8;
	[tilespmem:$0x10280] =	vst v63  }
0xf3: {  	s26 =	simm.s32 @!p0 $0x7A00  }
0xf4: {  	[tilespmem:s26], [sflag:$0x2] =	stream.indirect_vreg.gather @!p0 [hbm4b:s15+s25], $0x80, v3, vm1, $0xb8;
	[tilespmem:$0x10280] =	vst v63  }
0xf5: {  	s30 =	simm.s32 $0x0;
	s26 =	simm.s32 $0x0  }
0xf6: {  	s25 =	sand.u32 $0x3C00, s26;
	s26 =	sand.u32 $0x380, s30  }
0xf7: {  	s25 =	sor.u32 s26, s25  }
0xf8: {  	v3 =	vld [tilespmem:s25+$0x8270]  }
0xf9: {  	v4 =	vld [tilespmem:s25+$0x8200]  }
0xfa: {  	v5 =	vld [tilespmem:s25+$0x8210]  }
0xfb: {  	v6 =	vld [tilespmem:s25+$0x8220]  }
0xfc: {  	v8 =	vld [tilespmem:s25+$0x8230]  }
0xfd: {  	s28 =	simm.s32 $0x400;
	s26 =	simm.s32 $0x8;
	v9 =	vld [tilespmem:s25+$0x8240];
	v3 =	vmul.f32 v3, v2  }
0xfe: {  	s29 =	sand.u32 $0x3C00, s28;
	s30 =	sand.u32 $0x380, s26;
	v10 =	vld [tilespmem:s25+$0x8250];
	v4 =	vmul.f32 v4, v2  }
0xff: {  	v12 =	vld [tilespmem:s25+$0x8260];
	s29 =	sor.u32 s30, s29;
	v11 =	vmul.f32 v5, v2;
	[tilespmem:s25+$0x8270] =	vst v3  }
0x100: {  	v7 =	vld [tilespmem:s29+$0x8270];
	[tilespmem:s25+$0x8200] =	vst v4;
	v3 =	vmul.f32 v6, v2  }
0x101: {  	v5 =	vld [tilespmem:s29+$0x8200];
	[tilespmem:s25+$0x8210] =	vst v11;
	v4 =	vmul.f32 v8, v2  }
0x102: {  	v6 =	vld [tilespmem:s29+$0x8210];
	v8 =	vmul.f32 v9, v2;
	[tilespmem:s25+$0x8220] =	vst v3  }
0x103: {  	v9 =	vmul.f32 v10, v2;
	v3 =	vld [tilespmem:s29+$0x8220];
	[tilespmem:s25+$0x8230] =	vst v4  }
0x104: {  	v4 =	vld [tilespmem:s29+$0x8230];
	[tilespmem:s25+$0x8240] =	vst v8;
	v8 =	vmul.f32 v12, v2  }
.LBB2_7:
0x105: {  	s26 =	sadd.s32 $0x8, s26;
	v10 =	vld [tilespmem:s29+$0x8240];
	v7 =	vmul.f32 v7, v2;
	s28 =	sadd.s32 $0x400, s28;
	[tilespmem:s25+$0x8250] =	vst v9  }
0x106: {  	s30 =	sand.u32 $0x3C00, s28;
	s23 =	sand.u32 $0x380, s26;
	p1 =	slt.u32 s26, $0x3F8;
	v5 =	vmul.f32 v5, v2;
	v9 =	vld [tilespmem:s29+$0x8250];
	[tilespmem:s25+$0x8260] =	vst v8  }
0x107: {  	s25 =	smov.u32 s29;
	v6 =	vmul.f32 v6, v2;
	v8 =	vld [tilespmem:s29+$0x8260];
	[tilespmem:s29+$0x8270] =	vst v7;
	s29 =	sor.u32 s23, s30  }
.Ltmp2:
0x108: {  	v7 =	vld [tilespmem:s29+$0x8270];
	[tilespmem:s25+$0x8200] =	vst v5;
	v3 =	vmul.f32 v3, v2;
	(pc) =	sbr.rel @p1 .LBB2_7-.Ltmp2, $4  }
0x109: {  	v5 =	vld [tilespmem:s29+$0x8200];
	[tilespmem:s25+$0x8210] =	vst v6;
	v4 =	vmul.f32 v4, v2  }
0x10a: {  	v6 =	vld [tilespmem:s29+$0x8210];
	[tilespmem:s25+$0x8220] =	vst v3;
	v10 =	vmul.f32 v10, v2  }
0x10b: {  	v3 =	vld [tilespmem:s29+$0x8220];
	[tilespmem:s25+$0x8230] =	vst v4;
	v9 =	vmul.f32 v9, v2  }
0x10c: {  	v4 =	vld [tilespmem:s29+$0x8230];
	[tilespmem:s25+$0x8240] =	vst v10;
	v8 =	vmul.f32 v8, v2  }
0x10d: {  	v10 =	vld [tilespmem:s29+$0x8240];
	v7 =	vmul.f32 v7, v2;
	[tilespmem:s25+$0x8250] =	vst v9  }
0x10e: {  	v9 =	vld [tilespmem:s29+$0x8250];
	v5 =	vmul.f32 v5, v2;
	[tilespmem:s25+$0x8260] =	vst v8  }
0x10f: {  	v8 =	vld [tilespmem:s29+$0x8260];
	v6 =	vmul.f32 v6, v2;
	[tilespmem:s29+$0x8270] =	vst v7  }
0x110: {  	[tilespmem:s29+$0x8200] =	vst v5;
	v3 =	vmul.f32 v3, v2  }
0x111: {  	[tilespmem:s29+$0x8210] =	vst v6;
	v4 =	vmul.f32 v4, v2  }
0x112: {  	[tilespmem:s29+$0x8220] =	vst v3;
	v3 =	vmul.f32 v10, v2  }
0x113: {  	[tilespmem:s29+$0x8230] =	vst v4;
	v4 =	vmul.f32 v9, v2  }
0x114: {  	[tilespmem:s29+$0x8240] =	vst v3;
	v3 =	vmul.f32 v8, v2  }
0x115: {  	[tilespmem:s29+$0x8250] =	vst v4  }
0x116: {  	s23 =	sadd.s32 $0x1000, s24;
	s25 =	simm.s32 $0x8200;
	[tilespmem:s29+$0x8260] =	vst v3  }
0x117: {  	[hbm4b:s23+s4] =	stream.linear.scatter [tilespmem:s25], [sflag:$0x7], $0x4000, $0x38;
	[tilespmem:$0x10280] =	vst v63  }
0x118: {  	_ =	swait.ge [sflag:s17], $0x4000  }
0x119: {  	[sflag:s17] =	ssyncset.done $0x0  }
0x11a: {  	[sflag:s17] =	ssyncadd.s32 $0xFFFFC000  }
0x11b: {  	_ =	swait.ge [sflag:s19], $0x4000  }
0x11c: {  	[sflag:s19] =	ssyncset.done $0x0  }
0x11d: {  	[sflag:s19] =	ssyncadd.s32 $0xFFFFC000  }
0x11e: {  	v3 =	vld.msk @!p0 [tilespmem:s22+$0x30], $0xff;
	_ =	sdelay $0x4  }
0x11f: {  	v4 =	vshll.u32 @!p0 v3, $0x4  }
0x120: {  	v5 =	vlaneseq.u32 @!p0;
	v3 =	vand.u32 @!p0 $0x7, v3;
	v4 =	vand.u32 @!p0 $0xFFFFFF80, v4  }
0x121: {  	v3 =	vor.u32 @!p0 v3, v4;
	v4 =	vand.u32 @!p0 $0x7, v5;
	v5 =	vshrl.u32 @!p0 v5, $0x3  }
0x122: {  	v3 =	vperm.xlane @!p0 v3, v4;
	v4 =	vmul.u32 @!p0 $0x8, v5;
	_ =	sdelay $0x1  }
0x123: {  	v3 =	vadd.s32 @!p0 v4, v3;
	_ =	sdelay $0x3  }
0x124: {  	s23 =	simm.s32 @!p0 $0x8200;
	s22 =	simm.s32 @!p0 $0x0  }
0x125: {  	[tilespmem:s23], [sflag:$0x3] =	stream.indirect_vreg.gather @!p0 [hbm4b:s1+s22], $0x80, v3, vm1, $0xb8;
	[tilespmem:$0x10280] =	vst v63  }
0x126: {  	s23 =	simm.s32 @!p0 $0x8A00  }
0x127: {  	[tilespmem:s23], [sflag:$0x3] =	stream.indirect_vreg.gather @!p0 [hbm4b:s9+s22], $0x80, v3, vm1, $0xb8;
	[tilespmem:$0x10280] =	vst v63  }
0x128: {  	s23 =	simm.s32 @!p0 $0x9200  }
0x129: {  	[tilespmem:s23], [sflag:$0x3] =	stream.indirect_vreg.gather @!p0 [hbm4b:s10+s22], $0x80, v3, vm1, $0xb8;
	[tilespmem:$0x10280] =	vst v63  }
0x12a: {  	s23 =	simm.s32 @!p0 $0x9A00  }
0x12b: {  	[tilespmem:s23], [sflag:$0x3] =	stream.indirect_vreg.gather @!p0 [hbm4b:s11+s22], $0x80, v3, vm1, $0xb8;
	[tilespmem:$0x10280] =	vst v63  }
0x12c: {  	s23 =	simm.s32 @!p0 $0xA200  }
0x12d: {  	[tilespmem:s23], [sflag:$0x3] =	stream.indirect_vreg.gather @!p0 [hbm4b:s12+s22], $0x80, v3, vm1, $0xb8;
	[tilespmem:$0x10280] =	vst v63  }
0x12e: {  	s23 =	simm.s32 @!p0 $0xAA00  }
0x12f: {  	[tilespmem:s23], [sflag:$0x3] =	stream.indirect_vreg.gather @!p0 [hbm4b:s13+s22], $0x80, v3, vm1, $0xb8;
	[tilespmem:$0x10280] =	vst v63  }
0x130: {  	s23 =	simm.s32 @!p0 $0xB200  }
0x131: {  	[tilespmem:s23], [sflag:$0x3] =	stream.indirect_vreg.gather @!p0 [hbm4b:s14+s22], $0x80, v3, vm1, $0xb8;
	[tilespmem:$0x10280] =	vst v63  }
0x132: {  	s26 =	simm.s32 $0x0;
	s28 =	simm.s32 $0x0;
	s23 =	simm.s32 @!p0 $0xBA00  }
0x133: {  	[tilespmem:s23], [sflag:$0x3] =	stream.indirect_vreg.gather @!p0 [hbm4b:s15+s22], $0x80, v3, vm1, $0xb8;
	[tilespmem:$0x10280] =	vst v63  }
0x134: {  	s22 =	sand.u32 $0x3C00, s26;
	s23 =	sand.u32 $0x380, s28  }
0x135: {  	s24 =	sor.u32 s23, s22  }
0x136: {  	v3 =	vld [tilespmem:s24+$0xC270]  }
0x137: {  	v4 =	vld [tilespmem:s24+$0xC200]  }
0x138: {  	v5 =	vld [tilespmem:s24+$0xC210]  }
0x139: {  	v6 =	vld [tilespmem:s24+$0xC220]  }
0x13a: {  	v8 =	vld [tilespmem:s24+$0xC230]  }
0x13b: {  	s25 =	simm.s32 $0x8;
	s26 =	simm.s32 $0x400;
	v9 =	vld [tilespmem:s24+$0xC240];
	v3 =	vmul.f32 v3, v2  }
0x13c: {  	s30 =	sand.u32 $0x380, s25;
	s29 =	sand.u32 $0x3C00, s26;
	v10 =	vld [tilespmem:s24+$0xC250];
	v4 =	vmul.f32 v4, v2  }
0x13d: {  	s22 =	sor.u32 s30, s29;
	v12 =	vld [tilespmem:s24+$0xC260];
	v11 =	vmul.f32 v5, v2;
	[tilespmem:s24+$0xC270] =	vst v3  }
0x13e: {  	v7 =	vld [tilespmem:s22+$0xC270];
	[tilespmem:s24+$0xC200] =	vst v4;
	v3 =	vmul.f32 v6, v2  }
0x13f: {  	v5 =	vld [tilespmem:s22+$0xC200];
	[tilespmem:s24+$0xC210] =	vst v11;
	v4 =	vmul.f32 v8, v2  }
0x140: {  	v6 =	vld [tilespmem:s22+$0xC210];
	v8 =	vmul.f32 v9, v2;
	[tilespmem:s24+$0xC220] =	vst v3  }
0x141: {  	v9 =	vmul.f32 v10, v2;
	v3 =	vld [tilespmem:s22+$0xC220];
	[tilespmem:s24+$0xC230] =	vst v4  }
0x142: {  	v4 =	vld [tilespmem:s22+$0xC230];
	[tilespmem:s24+$0xC240] =	vst v8;
	v8 =	vmul.f32 v12, v2  }
.LBB2_9:
0x143: {  	s25 =	sadd.s32 $0x8, s25;
	v10 =	vld [tilespmem:s22+$0xC240];
	v7 =	vmul.f32 v7, v2;
	s26 =	sadd.s32 $0x400, s26;
	[tilespmem:s24+$0xC250] =	vst v9  }
0x144: {  	s23 =	sand.u32 $0x3C00, s26;
	s28 =	sand.u32 $0x380, s25;
	p0 =	slt.u32 s25, $0x3F8;
	v5 =	vmul.f32 v5, v2;
	v9 =	vld [tilespmem:s22+$0xC250];
	[tilespmem:s24+$0xC260] =	vst v8  }
0x145: {  	s24 =	smov.u32 s22;
	v6 =	vmul.f32 v6, v2;
	v8 =	vld [tilespmem:s22+$0xC260];
	[tilespmem:s22+$0xC270] =	vst v7;
	s22 =	sor.u32 s28, s23  }
.Ltmp3:
0x146: {  	v7 =	vld [tilespmem:s22+$0xC270];
	[tilespmem:s24+$0xC200] =	vst v5;
	v3 =	vmul.f32 v3, v2;
	(pc) =	sbr.rel @p0 .LBB2_9-.Ltmp3, $4  }
0x147: {  	v5 =	vld [tilespmem:s22+$0xC200];
	[tilespmem:s24+$0xC210] =	vst v6;
	v4 =	vmul.f32 v4, v2  }
0x148: {  	v6 =	vld [tilespmem:s22+$0xC210];
	[tilespmem:s24+$0xC220] =	vst v3;
	v10 =	vmul.f32 v10, v2  }
0x149: {  	v3 =	vld [tilespmem:s22+$0xC220];
	[tilespmem:s24+$0xC230] =	vst v4;
	v9 =	vmul.f32 v9, v2  }
0x14a: {  	v4 =	vld [tilespmem:s22+$0xC230];
	[tilespmem:s24+$0xC240] =	vst v10;
	v8 =	vmul.f32 v8, v2  }
0x14b: {  	v10 =	vld [tilespmem:s22+$0xC240];
	v7 =	vmul.f32 v7, v2;
	[tilespmem:s24+$0xC250] =	vst v9  }
0x14c: {  	v61 =	vld [tilespmem:s22+$0xC250];
	v5 =	vmul.f32 v5, v2;
	[tilespmem:s24+$0xC260] =	vst v8  }
0x14d: {  	v62 =	vld [tilespmem:s22+$0xC260];
	v6 =	vmul.f32 v6, v2;
	[tilespmem:s22+$0xC270] =	vst v7  }
0x14e: {  	[tilespmem:s22+$0xC200] =	vst v5;
	v3 =	vmul.f32 v3, v2  }
0x14f: {  	s20 =	sadd.s32 $0x1, s20;
	[tilespmem:s22+$0xC210] =	vst v6;
	v4 =	vmul.f32 v4, v2  }
0x150: {  	p0 =	sne.s32 s20, $0x10;
	[tilespmem:s22+$0xC220] =	vst v3;
	v3 =	vmul.f32 v10, v2  }
.Ltmp4:
0x151: {  	v63 =	vmul.f32 v61, v2;
	[tilespmem:s22+$0xC230] =	vst v4;
	(pc) =	sbr.rel @p0 .LBB2_2-.Ltmp4, $4  }
0x152: {  	s21 =	sadd.s32 s6, s21;
	[tilespmem:s22+$0xC240] =	vst v3;
	v3 =	vmul.f32 v62, v2  }
0x153: {  	s21 =	sshll.u32 s21, $0xB;
	[tilespmem:s22+$0xC250] =	vst v63  }
0x154: {  	s21 =	sadd.s32 s3, s21;
	[tilespmem:s22+$0xC260] =	vst v3  }
0x155: {  	[hbm4b:s21+s4] =	stream.linear.scatter [tilespmem:s18], [sflag:$0x8], $0x4000, $0x38;
	[tilespmem:$0x10280] =	vst v63  }
0x156: {  	s21 =	simm.s32 $0x8  }
0x157: {  	_ =	swait.ge [sflag:s21], $0x4000  }
0x158: {  	s22 =	rddreg [dreg:$0x7]  }
0x159: {  	s20 =	rddreg [dreg:$0x6];
	s22 =	sadd.s32 $0x1, s22  }
0x15a: {  	p0 =	sne.s32 s22, s20  }
.Ltmp5:
0x15b: {  	_ = 	snop;
	(pc) =	sbr.rel @p0 .LBB2_1-.Ltmp5, $3  }
0x15c: {  	_ =	sdelay $0x1  }
0x15d: {  	[sflag:s21] =	ssyncset.done $0x0  }
0x15e: {  	[sflag:s21] =	ssyncadd.s32 $0xFFFFC000  }
0x15f: {  	_ =	sfence.sel $0x180000  }
0x160: {  	[bflag:$0x0] =	sbarrier.arrive $0xFFFF  }
0x161: {  	_ =	strace $0x90000047  }
0x162: {  	s0 =	stileid.u32;
	[bflag:$0x2] =	sbarrier.arrive $0xFFFF  }
0x163: {  	p0 =	sne.s32 s0, $0x0;
	s0 =	rddreg [dreg:$0x3]  }
0x164: {  	s0 =	sadd.s32 @!p0 $0x100000, s0  }
0x165: {  	[sflag:s0] =	ssyncadd.tile.s32 @!p0 $0x1;
	_ =	shalt  }
.Lfunc_end2:
_tile_overlayer_lowered:
.L_overlay_start_2:
0x166: {  	(tag) =	ssettag $0x2  }
0x167: {  	s0 =	rddreg [dreg:$0x0];
	s2 =	stileid.u32  }
0x168: {  	s1 =	rddreg [dreg:$0x1];
	p0 =	sne.s32 s2, $0x0  }
0x169: {  	s3 =	rddreg [dreg:$0x2];
	[bflag:$0x3] =	sbarrier.arrive $0xFFFF;
	s2 =	simm.s32 @!p0 $0x1C09  }
0x16a: {  	[timem:s3], [sflag:s2] =	dma.local @!p0 [hbm:s0], s1  }
0x16b: {  	s0 =	simm.s32 @!p0 $0x9  }
0x16c: {  	_ =	swait.ge @!p0 [sflag:s0], s1  }
0x16d: {  	s1 =	ssub.s32 @!p0 $0x0, s1;
	[sflag:s0] =	ssyncset.done @!p0 $0x0  }
0x16e: {  	[sflag:s0] =	ssyncadd.s32 @!p0 s1  }
0x16f: {  	[bflag:$0x3] =	sbarrier.arrive $0xFFFF  }
0x170: {  	_ =	shalt  }

</sc_bundles>
